<compile_context>
chip_gen: v7x
topology: tpu7x:2x2x1
jax: 0.10.2.dev20260603
libtpu: 0.0.44.dev20260713+nightly
codegen_flags: <defaults>
</compile_context>

<pallas_src>
import functools

import jax
import jax.numpy as jnp
from jax import lax
from jax.experimental import pallas as pl
from jax.experimental.pallas import tpu as pltpu
from jax.experimental.pallas import tpu_sc as plsc

VOCAB = 100000
SEQ = 2048
DIM = 128
EPS = 1e-12
BATCH = 4

NC = 2
NS = 16
NW = NC * NS
N_TOK = BATCH * SEQ
ROWS_PER_W = N_TOK // NW
CHUNK = 128
N_CHUNK = ROWS_PER_W // CHUNK
LANES = 16
DLANES = DIM // LANES


def _xlane_sum(x):
    idx = lax.iota(jnp.int32, LANES)
    dnums = lax.GatherDimensionNumbers(
        offset_dims=(), collapsed_slice_dims=(0,), start_index_map=(0,))
    for k in (1, 2, 4, 8):
        perm = lax.bitwise_xor(idx, jnp.int32(k))
        x = x + lax.gather(
            x, perm[:, None], dimension_numbers=dnums, slice_sizes=(1,),
            mode=lax.GatherScatterMode.PROMISE_IN_BOUNDS)
    return x


def _rsqrt(x):
    yi = jnp.int32(0x5F3759DF) - lax.shift_right_logical(
        lax.bitcast_convert_type(x, jnp.int32), 1)
    y = lax.bitcast_convert_type(yi, jnp.float32)
    for _ in range(3):
        y = y * (1.5 - 0.5 * x * y * y)
    return y


@functools.partial(
    pl.kernel,
    mesh=plsc.VectorSubcoreMesh(core_axis_name="c", subcore_axis_name="s"),
    out_type=jax.ShapeDtypeStruct((N_TOK, DIM), jnp.float32),
    scratch_types=[
        pltpu.VMEM((N_CHUNK, CHUNK), jnp.int32),
        pltpu.VMEM((N_CHUNK, CHUNK), jnp.int32),
        pltpu.VMEM((ROWS_PER_W, DIM), jnp.float32),
        pltpu.VMEM((ROWS_PER_W, DIM), jnp.float32),
        pltpu.VMEM((ROWS_PER_W, DIM), jnp.float32),
        pltpu.VMEM((DIM,), jnp.float32),
        pltpu.VMEM((DIM,), jnp.float32),
        pltpu.SemaphoreType.DMA,
    ],
)
def _embed_ln(word_id_hbm, pos_id_hbm, word_table_hbm, pos_table_hbm,
              gamma_hbm, beta_hbm, out_hbm,
              idx_w, idx_p, wv, pv, ov, gv, bv, sem):
    wid = lax.axis_index("s") * NC + lax.axis_index("c")
    base = wid * ROWS_PER_W
    pltpu.sync_copy(word_id_hbm.at[wid], idx_w)
    pltpu.sync_copy(pos_id_hbm.at[wid], idx_p)
    pltpu.sync_copy(gamma_hbm, gv)
    pltpu.sync_copy(beta_hbm, bv)

    copies = []
    for c in range(N_CHUNK):
        dst = pl.ds(c * CHUNK, CHUNK)
        copies.append(pltpu.async_copy(
            word_table_hbm.at[idx_w.at[c]], wv.at[dst], sem))
        copies.append(pltpu.async_copy(
            pos_table_hbm.at[idx_p.at[c]], pv.at[dst], sem))
    for cp in copies:
        cp.wait()

    def _row(r, carry):
        vals = []
        acc = jnp.zeros((LANES,), jnp.float32)
        acc2 = jnp.zeros((LANES,), jnp.float32)
        for j in range(DLANES):
            sl = pl.ds(j * LANES, LANES)
            v = wv[r, sl] + pv[r, sl]
            vals.append(v)
            acc = acc + v
            acc2 = acc2 + v * v
        s = _xlane_sum(acc)
        s2 = _xlane_sum(acc2)
        mean = s * (1.0 / DIM)
        var = jnp.maximum(s2 * (1.0 / DIM) - mean * mean, 0.0) + EPS
        inv = _rsqrt(var)
        for j in range(DLANES):
            sl = pl.ds(j * LANES, LANES)
            ov[r, sl] = (vals[j] - mean) * inv * gv[sl] + bv[sl]
        return carry

    lax.fori_loop(0, ROWS_PER_W, _row, 0)
    pltpu.sync_copy(ov, out_hbm.at[pl.ds(base, ROWS_PER_W)])


def kernel(word_id, position_id, word_table, pos_table, gamma, beta):
    wid = word_id.astype(jnp.int32).reshape(NW, N_CHUNK, CHUNK)
    pid = position_id.astype(jnp.int32).reshape(NW, N_CHUNK, CHUNK)
    out = _embed_ln(wid, pid, word_table, pos_table, gamma, beta)
    return out.reshape(BATCH, SEQ, DIM)

# --- scband reference (transcript-rebuilt; emitter-appended) ---
"""Pipeline reference for scband-bertembedding-37847251812513 (READ-ONLY COPY).

The authoritative reference and input builder live on the scoring server;
editing this copy changes nothing except your own understanding.
"""

import jax, jax.numpy as jnp
import numpy as np

VOCAB = 100000
SEQ = 2048
DIM = 128
EPS = 1e-12
B = 4

def setup_inputs(seed: int = 0) -> dict:
    key = jax.random.key(seed)
    k1, k2, k3, k4, k5, k6 = jax.random.split(key, 6)
    word_id = jax.random.randint(k1, (B, SEQ), 0, VOCAB, dtype=jnp.int64 if jax.config.jax_enable_x64 else jnp.int32)
    position_id = jax.random.randint(k2, (B, SEQ), 0, SEQ, dtype=jnp.int64 if jax.config.jax_enable_x64 else jnp.int32)
    word_table = jax.random.normal(k3, (VOCAB, DIM), dtype=jnp.float32) * 0.02
    pos_table = jax.random.normal(k4, (SEQ, DIM), dtype=jnp.float32) * 0.02
    gamma = jnp.ones((DIM,), dtype=jnp.float32)
    beta = jnp.zeros((DIM,), dtype=jnp.float32)
    return {"word_id": word_id, "position_id": position_id, "word_table": word_table, "pos_table": pos_table, "gamma": gamma, "beta": beta}

def _layer_norm(x, gamma, beta, eps):
    mean = jnp.mean(x, axis=-1, keepdims=True)
    var = jnp.mean(jnp.square(x - mean), axis=-1, keepdims=True)
    return (x - mean) / jnp.sqrt(var + eps) * gamma + beta

def reference(word_id, position_id, word_table, pos_table, gamma, beta):
    # gather (embedding lookup) -> SparseCore-friendly jnp.take
    w = jnp.take(word_table, word_id, axis=0)
    p = jnp.take(pos_table, position_id, axis=0)
    emb = w + p
    emb = _layer_norm(emb, gamma, beta, EPS)
    # dropout is identity in eval/reference mode
    return emb

if __name__ == "__main__":
    import jax
    _d = setup_inputs()
    print(jax.jit(kernel)(*tuple(_d.values())))

</pallas_src>

<mosaic_0001>
#map = affine_map<(d0, d1) -> (0, 0, 0)>
#map1 = affine_map<(d0, d1) -> (0, 0)>
#map2 = affine_map<(d0, d1) -> (0)>
module attributes {stable_mosaic.version = 14 : i64} {
  func.func @_embed_ln(%arg0: i32, %arg1: i32, %arg2: memref<32x2x128xi32, #tpu.memory_space<hbm>>, %arg3: memref<32x2x128xi32, #tpu.memory_space<hbm>>, %arg4: memref<100000x128xf32, #tpu.memory_space<hbm>>, %arg5: memref<2048x128xf32, #tpu.memory_space<hbm>>, %arg6: memref<128xf32, #tpu.memory_space<hbm>>, %arg7: memref<128xf32, #tpu.memory_space<hbm>>, %arg8: memref<8192x128xf32, #tpu.memory_space<hbm>>, %arg9: memref<2x128xi32, #tpu.memory_space<vmem>>, %arg10: memref<2x128xi32, #tpu.memory_space<vmem>>, %arg11: memref<256x128xf32, #tpu.memory_space<vmem>>, %arg12: memref<256x128xf32, #tpu.memory_space<vmem>>, %arg13: memref<256x128xf32, #tpu.memory_space<vmem>>, %arg14: memref<128xf32, #tpu.memory_space<vmem>>, %arg15: memref<128xf32, #tpu.memory_space<vmem>>, %arg16: memref<!tpu.dma_semaphore, #tpu.memory_space<semaphore_mem>>) attributes {dimension_semantics = [#tpu.dimension_semantics<core_parallel>, #tpu.dimension_semantics<subcore_parallel>], iteration_bounds = array<i64: 2, 16>, scalar_prefetch = 0 : i64, scratch_operands = 8 : i64, tpu.core_type = #tpu.core_type<sc_vector_subcore>, window_params = [{transform_indices = #map}, {transform_indices = #map}, {transform_indices = #map1}, {transform_indices = #map1}, {transform_indices = #map2}, {transform_indices = #map2}, {transform_indices = #map1}]} {
    %mul3A = arith.constant 2 : i32
    %mul3A_0 = arith.muli %arg1, %mul3A : i32
    %add3A = arith.addi %mul3A_0, %arg0 : i32
    %mul3A_1 = arith.constant 256 : i32
    %mul3A_2 = arith.muli %add3A, %mul3A_1 : i32
    "tpu.region"() ({
      %run_scoped3A = tpu.sem_alloc : memref<!tpu.dma_semaphore, #tpu.memory_space<semaphore_mem>>
      %dma_start3A_86 = arith.constant 0 : i32
      %dma_start3A_87 = arith.constant 0 : i32
      %dma_start3A_88 = tpu.memref_slice %arg2[%add3A, %dma_start3A_86, %dma_start3A_87] : memref<32x2x128xi32, #tpu.memory_space<hbm>> -> memref<1x2x128xi32, #tpu.memory_space<hbm>>
      %dma_start3A_89 = tpu.memref_squeeze %dma_start3A_88 : memref<1x2x128xi32, #tpu.memory_space<hbm>> -> memref<2x128xi32, #tpu.memory_space<hbm>>
      %dma_start3A_90 = arith.constant 0 : i32
      %dma_start3A_91 = arith.constant 0 : i32
      %dma_start3A_92 = tpu.memref_slice %arg2[%add3A, %dma_start3A_90, %dma_start3A_91] : memref<32x2x128xi32, #tpu.memory_space<hbm>> -> memref<1x2x128xi32, #tpu.memory_space<hbm>>
      %dma_start3A_93 = tpu.memref_squeeze %dma_start3A_92 : memref<1x2x128xi32, #tpu.memory_space<hbm>> -> memref<2x128xi32, #tpu.memory_space<hbm>>
      tpu.enqueue_dma source(%dma_start3A_93 : memref<2x128xi32, #tpu.memory_space<hbm>>) target(%arg9 : memref<2x128xi32, #tpu.memory_space<vmem>>) target_semaphore(%run_scoped3A : memref<!tpu.dma_semaphore, #tpu.memory_space<semaphore_mem>>)
      %dma_wait3A_94 = arith.constant 0 : i32
      %dma_wait3A_95 = arith.constant 0 : i32
      %dma_wait3A_96 = tpu.memref_slice %arg2[%add3A, %dma_wait3A_94, %dma_wait3A_95] : memref<32x2x128xi32, #tpu.memory_space<hbm>> -> memref<1x2x128xi32, #tpu.memory_space<hbm>>
      %dma_wait3A_97 = tpu.memref_squeeze %dma_wait3A_96 : memref<1x2x128xi32, #tpu.memory_space<hbm>> -> memref<2x128xi32, #tpu.memory_space<hbm>>
      %dma_wait3A_98 = arith.constant 0 : i32
      %dma_wait3A_99 = arith.constant 0 : i32
      %dma_wait3A_100 = tpu.memref_slice %arg2[%add3A, %dma_wait3A_98, %dma_wait3A_99] : memref<32x2x128xi32, #tpu.memory_space<hbm>> -> memref<1x2x128xi32, #tpu.memory_space<hbm>>
      %dma_wait3A_101 = tpu.memref_squeeze %dma_wait3A_100 : memref<1x2x128xi32, #tpu.memory_space<hbm>> -> memref<2x128xi32, #tpu.memory_space<hbm>>
      tpu.wait_dma2 semaphore(%run_scoped3A : memref<!tpu.dma_semaphore, #tpu.memory_space<semaphore_mem>>) src(%dma_wait3A_101 : memref<2x128xi32, #tpu.memory_space<hbm>>) dst(%arg9 : memref<2x128xi32, #tpu.memory_space<vmem>>)
      tpu.yield
    }) : () -> ()
    "tpu.region"() ({
      %run_scoped3A = tpu.sem_alloc : memref<!tpu.dma_semaphore, #tpu.memory_space<semaphore_mem>>
      %dma_start3A_86 = arith.constant 0 : i32
      %dma_start3A_87 = arith.constant 0 : i32
      %dma_start3A_88 = tpu.memref_slice %arg3[%add3A, %dma_start3A_86, %dma_start3A_87] : memref<32x2x128xi32, #tpu.memory_space<hbm>> -> memref<1x2x128xi32, #tpu.memory_space<hbm>>
      %dma_start3A_89 = tpu.memref_squeeze %dma_start3A_88 : memref<1x2x128xi32, #tpu.memory_space<hbm>> -> memref<2x128xi32, #tpu.memory_space<hbm>>
      %dma_start3A_90 = arith.constant 0 : i32
      %dma_start3A_91 = arith.constant 0 : i32
      %dma_start3A_92 = tpu.memref_slice %arg3[%add3A, %dma_start3A_90, %dma_start3A_91] : memref<32x2x128xi32, #tpu.memory_space<hbm>> -> memref<1x2x128xi32, #tpu.memory_space<hbm>>
      %dma_start3A_93 = tpu.memref_squeeze %dma_start3A_92 : memref<1x2x128xi32, #tpu.memory_space<hbm>> -> memref<2x128xi32, #tpu.memory_space<hbm>>
      tpu.enqueue_dma source(%dma_start3A_93 : memref<2x128xi32, #tpu.memory_space<hbm>>) target(%arg10 : memref<2x128xi32, #tpu.memory_space<vmem>>) target_semaphore(%run_scoped3A : memref<!tpu.dma_semaphore, #tpu.memory_space<semaphore_mem>>)
      %dma_wait3A_94 = arith.constant 0 : i32
      %dma_wait3A_95 = arith.constant 0 : i32
      %dma_wait3A_96 = tpu.memref_slice %arg3[%add3A, %dma_wait3A_94, %dma_wait3A_95] : memref<32x2x128xi32, #tpu.memory_space<hbm>> -> memref<1x2x128xi32, #tpu.memory_space<hbm>>
      %dma_wait3A_97 = tpu.memref_squeeze %dma_wait3A_96 : memref<1x2x128xi32, #tpu.memory_space<hbm>> -> memref<2x128xi32, #tpu.memory_space<hbm>>
      %dma_wait3A_98 = arith.constant 0 : i32
      %dma_wait3A_99 = arith.constant 0 : i32
      %dma_wait3A_100 = tpu.memref_slice %arg3[%add3A, %dma_wait3A_98, %dma_wait3A_99] : memref<32x2x128xi32, #tpu.memory_space<hbm>> -> memref<1x2x128xi32, #tpu.memory_space<hbm>>
      %dma_wait3A_101 = tpu.memref_squeeze %dma_wait3A_100 : memref<1x2x128xi32, #tpu.memory_space<hbm>> -> memref<2x128xi32, #tpu.memory_space<hbm>>
      tpu.wait_dma2 semaphore(%run_scoped3A : memref<!tpu.dma_semaphore, #tpu.memory_space<semaphore_mem>>) src(%dma_wait3A_101 : memref<2x128xi32, #tpu.memory_space<hbm>>) dst(%arg10 : memref<2x128xi32, #tpu.memory_space<vmem>>)
      tpu.yield
    }) : () -> ()
    "tpu.region"() ({
      %run_scoped3A = tpu.sem_alloc : memref<!tpu.dma_semaphore, #tpu.memory_space<semaphore_mem>>
      tpu.enqueue_dma source(%arg6 : memref<128xf32, #tpu.memory_space<hbm>>) target(%arg14 : memref<128xf32, #tpu.memory_space<vmem>>) target_semaphore(%run_scoped3A : memref<!tpu.dma_semaphore, #tpu.memory_space<semaphore_mem>>)
      tpu.wait_dma2 semaphore(%run_scoped3A : memref<!tpu.dma_semaphore, #tpu.memory_space<semaphore_mem>>) src(%arg6 : memref<128xf32, #tpu.memory_space<hbm>>) dst(%arg14 : memref<128xf32, #tpu.memory_space<vmem>>)
      tpu.yield
    }) : () -> ()
    "tpu.region"() ({
      %run_scoped3A = tpu.sem_alloc : memref<!tpu.dma_semaphore, #tpu.memory_space<semaphore_mem>>
      tpu.enqueue_dma source(%arg7 : memref<128xf32, #tpu.memory_space<hbm>>) target(%arg15 : memref<128xf32, #tpu.memory_space<vmem>>) target_semaphore(%run_scoped3A : memref<!tpu.dma_semaphore, #tpu.memory_space<semaphore_mem>>)
      tpu.wait_dma2 semaphore(%run_scoped3A : memref<!tpu.dma_semaphore, #tpu.memory_space<semaphore_mem>>) src(%arg7 : memref<128xf32, #tpu.memory_space<hbm>>) dst(%arg15 : memref<128xf32, #tpu.memory_space<vmem>>)
      tpu.yield
    }) : () -> ()
    %dma_start3A = arith.constant 0 : i32
    %dma_start3A_3 = arith.constant 0 : i32
    %dma_start3A_4 = arith.constant 0 : i32
    %dma_start3A_5 = tpu.memref_slice %arg11[%dma_start3A_3, %dma_start3A_4] : memref<256x128xf32, #tpu.memory_space<vmem>> -> memref<128x128xf32, #tpu.memory_space<vmem>>
    %dma_start3A_6 = arith.constant 0 : i32
    %dma_start3A_7 = tpu.memref_slice %arg9[%dma_start3A, %dma_start3A_6] : memref<2x128xi32, #tpu.memory_space<vmem>> -> memref<1x128xi32, #tpu.memory_space<vmem>>
    %dma_start3A_8 = tpu.memref_squeeze %dma_start3A_7 : memref<1x128xi32, #tpu.memory_space<vmem>> -> memref<128xi32, #tpu.memory_space<vmem>>
    %dma_start3A_9 = arith.constant 0 : i32
    %dma_start3A_10 = arith.constant 0 : i32
    %dma_start3A_11 = tpu.memref_slice %arg4[%dma_start3A_9, %dma_start3A_10] : memref<100000x128xf32, #tpu.memory_space<hbm>> -> memref<100000x128xf32, #tpu.memory_space<hbm>>
    tpu.enqueue_indirect_dma source(%dma_start3A_11 : memref<100000x128xf32, #tpu.memory_space<hbm>>) target(%dma_start3A_5 : memref<128x128xf32, #tpu.memory_space<vmem>>) offsets(%dma_start3A_8 : memref<128xi32, #tpu.memory_space<vmem>>) semaphore(%arg16 : memref<!tpu.dma_semaphore, #tpu.memory_space<semaphore_mem>>)
    %dma_start3A_12 = arith.constant 0 : i32
    %dma_start3A_13 = arith.constant 0 : i32
    %dma_start3A_14 = arith.constant 0 : i32
    %dma_start3A_15 = tpu.memref_slice %arg12[%dma_start3A_13, %dma_start3A_14] : memref<256x128xf32, #tpu.memory_space<vmem>> -> memref<128x128xf32, #tpu.memory_space<vmem>>
    %dma_start3A_16 = arith.constant 0 : i32
    %dma_start3A_17 = tpu.memref_slice %arg10[%dma_start3A_12, %dma_start3A_16] : memref<2x128xi32, #tpu.memory_space<vmem>> -> memref<1x128xi32, #tpu.memory_space<vmem>>
    %dma_start3A_18 = tpu.memref_squeeze %dma_start3A_17 : memref<1x128xi32, #tpu.memory_space<vmem>> -> memref<128xi32, #tpu.memory_space<vmem>>
    %dma_start3A_19 = arith.constant 0 : i32
    %dma_start3A_20 = arith.constant 0 : i32
    %dma_start3A_21 = tpu.memref_slice %arg5[%dma_start3A_19, %dma_start3A_20] : memref<2048x128xf32, #tpu.memory_space<hbm>> -> memref<2048x128xf32, #tpu.memory_space<hbm>>
    tpu.enqueue_indirect_dma source(%dma_start3A_21 : memref<2048x128xf32, #tpu.memory_space<hbm>>) target(%dma_start3A_15 : memref<128x128xf32, #tpu.memory_space<vmem>>) offsets(%dma_start3A_18 : memref<128xi32, #tpu.memory_space<vmem>>) semaphore(%arg16 : memref<!tpu.dma_semaphore, #tpu.memory_space<semaphore_mem>>)
    %dma_start3A_22 = arith.constant 1 : i32
    %dma_start3A_23 = arith.constant 128 : i32
    %dma_start3A_24 = arith.constant 0 : i32
    %dma_start3A_25 = tpu.memref_slice %arg11[%dma_start3A_23, %dma_start3A_24] : memref<256x128xf32, #tpu.memory_space<vmem>> -> memref<128x128xf32, #tpu.memory_space<vmem>>
    %dma_start3A_26 = arith.constant 0 : i32
    %dma_start3A_27 = tpu.memref_slice %arg9[%dma_start3A_22, %dma_start3A_26] : memref<2x128xi32, #tpu.memory_space<vmem>> -> memref<1x128xi32, #tpu.memory_space<vmem>>
    %dma_start3A_28 = tpu.memref_squeeze %dma_start3A_27 : memref<1x128xi32, #tpu.memory_space<vmem>> -> memref<128xi32, #tpu.memory_space<vmem>>
    %dma_start3A_29 = arith.constant 0 : i32
    %dma_start3A_30 = arith.constant 0 : i32
    %dma_start3A_31 = tpu.memref_slice %arg4[%dma_start3A_29, %dma_start3A_30] : memref<100000x128xf32, #tpu.memory_space<hbm>> -> memref<100000x128xf32, #tpu.memory_space<hbm>>
    tpu.enqueue_indirect_dma source(%dma_start3A_31 : memref<100000x128xf32, #tpu.memory_space<hbm>>) target(%dma_start3A_25 : memref<128x128xf32, #tpu.memory_space<vmem>>) offsets(%dma_start3A_28 : memref<128xi32, #tpu.memory_space<vmem>>) semaphore(%arg16 : memref<!tpu.dma_semaphore, #tpu.memory_space<semaphore_mem>>)
    %dma_start3A_32 = arith.constant 1 : i32
    %dma_start3A_33 = arith.constant 128 : i32
    %dma_start3A_34 = arith.constant 0 : i32
    %dma_start3A_35 = tpu.memref_slice %arg12[%dma_start3A_33, %dma_start3A_34] : memref<256x128xf32, #tpu.memory_space<vmem>> -> memref<128x128xf32, #tpu.memory_space<vmem>>
    %dma_start3A_36 = arith.constant 0 : i32
    %dma_start3A_37 = tpu.memref_slice %arg10[%dma_start3A_32, %dma_start3A_36] : memref<2x128xi32, #tpu.memory_space<vmem>> -> memref<1x128xi32, #tpu.memory_space<vmem>>
    %dma_start3A_38 = tpu.memref_squeeze %dma_start3A_37 : memref<1x128xi32, #tpu.memory_space<vmem>> -> memref<128xi32, #tpu.memory_space<vmem>>
    %dma_start3A_39 = arith.constant 0 : i32
    %dma_start3A_40 = arith.constant 0 : i32
    %dma_start3A_41 = tpu.memref_slice %arg5[%dma_start3A_39, %dma_start3A_40] : memref<2048x128xf32, #tpu.memory_space<hbm>> -> memref<2048x128xf32, #tpu.memory_space<hbm>>
    tpu.enqueue_indirect_dma source(%dma_start3A_41 : memref<2048x128xf32, #tpu.memory_space<hbm>>) target(%dma_start3A_35 : memref<128x128xf32, #tpu.memory_space<vmem>>) offsets(%dma_start3A_38 : memref<128xi32, #tpu.memory_space<vmem>>) semaphore(%arg16 : memref<!tpu.dma_semaphore, #tpu.memory_space<semaphore_mem>>)
    %dma_wait3A = arith.constant 0 : i32
    %dma_wait3A_42 = arith.constant 0 : i32
    %dma_wait3A_43 = arith.constant 0 : i32
    %dma_wait3A_44 = tpu.memref_slice %arg11[%dma_wait3A_42, %dma_wait3A_43] : memref<256x128xf32, #tpu.memory_space<vmem>> -> memref<128x128xf32, #tpu.memory_space<vmem>>
    %dma_wait3A_45 = arith.constant 0 : i32
    %dma_wait3A_46 = tpu.memref_slice %arg9[%dma_wait3A, %dma_wait3A_45] : memref<2x128xi32, #tpu.memory_space<vmem>> -> memref<1x128xi32, #tpu.memory_space<vmem>>
    %dma_wait3A_47 = tpu.memref_squeeze %dma_wait3A_46 : memref<1x128xi32, #tpu.memory_space<vmem>> -> memref<128xi32, #tpu.memory_space<vmem>>
    %dma_wait3A_48 = arith.constant 0 : i32
    %dma_wait3A_49 = arith.constant 0 : i32
    %dma_wait3A_50 = tpu.memref_slice %arg4[%dma_wait3A_48, %dma_wait3A_49] : memref<100000x128xf32, #tpu.memory_space<hbm>> -> memref<100000x128xf32, #tpu.memory_space<hbm>>
    tpu.wait_indirect_dma semaphore(%arg16 : memref<!tpu.dma_semaphore, #tpu.memory_space<semaphore_mem>>) src(%dma_wait3A_50 : memref<100000x128xf32, #tpu.memory_space<hbm>>) dst(%dma_wait3A_44 : memref<128x128xf32, #tpu.memory_space<vmem>>)
    %dma_wait3A_51 = arith.constant 0 : i32
    %dma_wait3A_52 = arith.constant 0 : i32
    %dma_wait3A_53 = arith.constant 0 : i32
    %dma_wait3A_54 = tpu.memref_slice %arg12[%dma_wait3A_52, %dma_wait3A_53] : memref<256x128xf32, #tpu.memory_space<vmem>> -> memref<128x128xf32, #tpu.memory_space<vmem>>
    %dma_wait3A_55 = arith.constant 0 : i32
    %dma_wait3A_56 = tpu.memref_slice %arg10[%dma_wait3A_51, %dma_wait3A_55] : memref<2x128xi32, #tpu.memory_space<vmem>> -> memref<1x128xi32, #tpu.memory_space<vmem>>
    %dma_wait3A_57 = tpu.memref_squeeze %dma_wait3A_56 : memref<1x128xi32, #tpu.memory_space<vmem>> -> memref<128xi32, #tpu.memory_space<vmem>>
    %dma_wait3A_58 = arith.constant 0 : i32
    %dma_wait3A_59 = arith.constant 0 : i32
    %dma_wait3A_60 = tpu.memref_slice %arg5[%dma_wait3A_58, %dma_wait3A_59] : memref<2048x128xf32, #tpu.memory_space<hbm>> -> memref<2048x128xf32, #tpu.memory_space<hbm>>
    tpu.wait_indirect_dma semaphore(%arg16 : memref<!tpu.dma_semaphore, #tpu.memory_space<semaphore_mem>>) src(%dma_wait3A_60 : memref<2048x128xf32, #tpu.memory_space<hbm>>) dst(%dma_wait3A_54 : memref<128x128xf32, #tpu.memory_space<vmem>>)
    %dma_wait3A_61 = arith.constant 1 : i32
    %dma_wait3A_62 = arith.constant 128 : i32
    %dma_wait3A_63 = arith.constant 0 : i32
    %dma_wait3A_64 = tpu.memref_slice %arg11[%dma_wait3A_62, %dma_wait3A_63] : memref<256x128xf32, #tpu.memory_space<vmem>> -> memref<128x128xf32, #tpu.memory_space<vmem>>
    %dma_wait3A_65 = arith.constant 0 : i32
    %dma_wait3A_66 = tpu.memref_slice %arg9[%dma_wait3A_61, %dma_wait3A_65] : memref<2x128xi32, #tpu.memory_space<vmem>> -> memref<1x128xi32, #tpu.memory_space<vmem>>
    %dma_wait3A_67 = tpu.memref_squeeze %dma_wait3A_66 : memref<1x128xi32, #tpu.memory_space<vmem>> -> memref<128xi32, #tpu.memory_space<vmem>>
    %dma_wait3A_68 = arith.constant 0 : i32
    %dma_wait3A_69 = arith.constant 0 : i32
    %dma_wait3A_70 = tpu.memref_slice %arg4[%dma_wait3A_68, %dma_wait3A_69] : memref<100000x128xf32, #tpu.memory_space<hbm>> -> memref<100000x128xf32, #tpu.memory_space<hbm>>
    tpu.wait_indirect_dma semaphore(%arg16 : memref<!tpu.dma_semaphore, #tpu.memory_space<semaphore_mem>>) src(%dma_wait3A_70 : memref<100000x128xf32, #tpu.memory_space<hbm>>) dst(%dma_wait3A_64 : memref<128x128xf32, #tpu.memory_space<vmem>>)
    %dma_wait3A_71 = arith.constant 1 : i32
    %dma_wait3A_72 = arith.constant 128 : i32
    %dma_wait3A_73 = arith.constant 0 : i32
    %dma_wait3A_74 = tpu.memref_slice %arg12[%dma_wait3A_72, %dma_wait3A_73] : memref<256x128xf32, #tpu.memory_space<vmem>> -> memref<128x128xf32, #tpu.memory_space<vmem>>
    %dma_wait3A_75 = arith.constant 0 : i32
    %dma_wait3A_76 = tpu.memref_slice %arg10[%dma_wait3A_71, %dma_wait3A_75] : memref<2x128xi32, #tpu.memory_space<vmem>> -> memref<1x128xi32, #tpu.memory_space<vmem>>
    %dma_wait3A_77 = tpu.memref_squeeze %dma_wait3A_76 : memref<1x128xi32, #tpu.memory_space<vmem>> -> memref<128xi32, #tpu.memory_space<vmem>>
    %dma_wait3A_78 = arith.constant 0 : i32
    %dma_wait3A_79 = arith.constant 0 : i32
    %dma_wait3A_80 = tpu.memref_slice %arg5[%dma_wait3A_78, %dma_wait3A_79] : memref<2048x128xf32, #tpu.memory_space<hbm>> -> memref<2048x128xf32, #tpu.memory_space<hbm>>
    tpu.wait_indirect_dma semaphore(%arg16 : memref<!tpu.dma_semaphore, #tpu.memory_space<semaphore_mem>>) src(%dma_wait3A_80 : memref<2048x128xf32, #tpu.memory_space<hbm>>) dst(%dma_wait3A_74 : memref<128x128xf32, #tpu.memory_space<vmem>>)
    %scan3A = arith.constant 0 : i32
    %scan3A_81 = arith.constant 0 : i32
    %scan3A_82 = arith.constant 256 : i32
    %scan3A_83 = arith.addi %scan3A_81, %scan3A_82 : i32
    %scan3A_84 = arith.constant 1 : i32
    scf.for %scan3A_86 = %scan3A_81 to %scan3A_83 step %scan3A_84  : i32 {
      %broadcast_in_dim3A = arith.constant 0.000000e+00 : f32
      %broadcast_in_dim3A_87 = vector.broadcast %broadcast_in_dim3A : f32 to vector<16xf32>
      %broadcast_in_dim3A_88 = arith.constant 0.000000e+00 : f32
      %broadcast_in_dim3A_89 = vector.broadcast %broadcast_in_dim3A_88 : f32 to vector<16xf32>
      %get3A = arith.index_cast %scan3A_86 : i32 to index
      %get3A_90 = arith.constant 0 : index
      %get3A_91 = tpu.vector_load %arg11[%get3A, %get3A_90] {strides = array<i32>} : memref<256x128xf32, #tpu.memory_space<vmem>>, vector<1x16xf32>,
      %get3A_92 = vector.shape_cast %get3A_91 : vector<1x16xf32> to vector<16xf32>
      %get3A_93 = arith.index_cast %scan3A_86 : i32 to index
      %get3A_94 = arith.constant 0 : index
      %get3A_95 = tpu.vector_load %arg12[%get3A_93, %get3A_94] {strides = array<i32>} : memref<256x128xf32, #tpu.memory_space<vmem>>, vector<1x16xf32>,
      %get3A_96 = vector.shape_cast %get3A_95 : vector<1x16xf32> to vector<16xf32>
      %add3A_97 = arith.addf %get3A_92, %get3A_96 : vector<16xf32>
      %add3A_98 = arith.addf %broadcast_in_dim3A_87, %add3A_97 : vector<16xf32>
      %mul3A_99 = arith.mulf %add3A_97, %add3A_97 : vector<16xf32>
      %add3A_100 = arith.addf %broadcast_in_dim3A_89, %mul3A_99 : vector<16xf32>
      %get3A_101 = arith.index_cast %scan3A_86 : i32 to index
      %get3A_102 = arith.constant 16 : index
      %get3A_103 = tpu.vector_load %arg11[%get3A_101, %get3A_102] {strides = array<i32>} : memref<256x128xf32, #tpu.memory_space<vmem>>, vector<1x16xf32>,
      %get3A_104 = vector.shape_cast %get3A_103 : vector<1x16xf32> to vector<16xf32>
      %get3A_105 = arith.index_cast %scan3A_86 : i32 to index
      %get3A_106 = arith.constant 16 : index
      %get3A_107 = tpu.vector_load %arg12[%get3A_105, %get3A_106] {strides = array<i32>} : memref<256x128xf32, #tpu.memory_space<vmem>>, vector<1x16xf32>,
      %get3A_108 = vector.shape_cast %get3A_107 : vector<1x16xf32> to vector<16xf32>
      %add3A_109 = arith.addf %get3A_104, %get3A_108 : vector<16xf32>
      %add3A_110 = arith.addf %add3A_98, %add3A_109 : vector<16xf32>
      %mul3A_111 = arith.mulf %add3A_109, %add3A_109 : vector<16xf32>
      %add3A_112 = arith.addf %add3A_100, %mul3A_111 : vector<16xf32>
      %get3A_113 = arith.index_cast %scan3A_86 : i32 to index
      %get3A_114 = arith.constant 32 : index
      %get3A_115 = tpu.vector_load %arg11[%get3A_113, %get3A_114] {strides = array<i32>} : memref<256x128xf32, #tpu.memory_space<vmem>>, vector<1x16xf32>,
      %get3A_116 = vector.shape_cast %get3A_115 : vector<1x16xf32> to vector<16xf32>
      %get3A_117 = arith.index_cast %scan3A_86 : i32 to index
      %get3A_118 = arith.constant 32 : index
      %get3A_119 = tpu.vector_load %arg12[%get3A_117, %get3A_118] {strides = array<i32>} : memref<256x128xf32, #tpu.memory_space<vmem>>, vector<1x16xf32>,
      %get3A_120 = vector.shape_cast %get3A_119 : vector<1x16xf32> to vector<16xf32>
      %add3A_121 = arith.addf %get3A_116, %get3A_120 : vector<16xf32>
      %add3A_122 = arith.addf %add3A_110, %add3A_121 : vector<16xf32>
      %mul3A_123 = arith.mulf %add3A_121, %add3A_121 : vector<16xf32>
      %add3A_124 = arith.addf %add3A_112, %mul3A_123 : vector<16xf32>
      %get3A_125 = arith.index_cast %scan3A_86 : i32 to index
      %get3A_126 = arith.constant 48 : index
      %get3A_127 = tpu.vector_load %arg11[%get3A_125, %get3A_126] {strides = array<i32>} : memref<256x128xf32, #tpu.memory_space<vmem>>, vector<1x16xf32>,
      %get3A_128 = vector.shape_cast %get3A_127 : vector<1x16xf32> to vector<16xf32>
      %get3A_129 = arith.index_cast %scan3A_86 : i32 to index
      %get3A_130 = arith.constant 48 : index
      %get3A_131 = tpu.vector_load %arg12[%get3A_129, %get3A_130] {strides = array<i32>} : memref<256x128xf32, #tpu.memory_space<vmem>>, vector<1x16xf32>,
      %get3A_132 = vector.shape_cast %get3A_131 : vector<1x16xf32> to vector<16xf32>
      %add3A_133 = arith.addf %get3A_128, %get3A_132 : vector<16xf32>
      %add3A_134 = arith.addf %add3A_122, %add3A_133 : vector<16xf32>
      %mul3A_135 = arith.mulf %add3A_133, %add3A_133 : vector<16xf32>
      %add3A_136 = arith.addf %add3A_124, %mul3A_135 : vector<16xf32>
      %get3A_137 = arith.index_cast %scan3A_86 : i32 to index
      %get3A_138 = arith.constant 64 : index
      %get3A_139 = tpu.vector_load %arg11[%get3A_137, %get3A_138] {strides = array<i32>} : memref<256x128xf32, #tpu.memory_space<vmem>>, vector<1x16xf32>,
      %get3A_140 = vector.shape_cast %get3A_139 : vector<1x16xf32> to vector<16xf32>
      %get3A_141 = arith.index_cast %scan3A_86 : i32 to index
      %get3A_142 = arith.constant 64 : index
      %get3A_143 = tpu.vector_load %arg12[%get3A_141, %get3A_142] {strides = array<i32>} : memref<256x128xf32, #tpu.memory_space<vmem>>, vector<1x16xf32>,
      %get3A_144 = vector.shape_cast %get3A_143 : vector<1x16xf32> to vector<16xf32>
      %add3A_145 = arith.addf %get3A_140, %get3A_144 : vector<16xf32>
      %add3A_146 = arith.addf %add3A_134, %add3A_145 : vector<16xf32>
      %mul3A_147 = arith.mulf %add3A_145, %add3A_145 : vector<16xf32>
      %add3A_148 = arith.addf %add3A_136, %mul3A_147 : vector<16xf32>
      %get3A_149 = arith.index_cast %scan3A_86 : i32 to index
      %get3A_150 = arith.constant 80 : index
      %get3A_151 = tpu.vector_load %arg11[%get3A_149, %get3A_150] {strides = array<i32>} : memref<256x128xf32, #tpu.memory_space<vmem>>, vector<1x16xf32>,
      %get3A_152 = vector.shape_cast %get3A_151 : vector<1x16xf32> to vector<16xf32>
      %get3A_153 = arith.index_cast %scan3A_86 : i32 to index
      %get3A_154 = arith.constant 80 : index
      %get3A_155 = tpu.vector_load %arg12[%get3A_153, %get3A_154] {strides = array<i32>} : memref<256x128xf32, #tpu.memory_space<vmem>>, vector<1x16xf32>,
      %get3A_156 = vector.shape_cast %get3A_155 : vector<1x16xf32> to vector<16xf32>
      %add3A_157 = arith.addf %get3A_152, %get3A_156 : vector<16xf32>
      %add3A_158 = arith.addf %add3A_146, %add3A_157 : vector<16xf32>
      %mul3A_159 = arith.mulf %add3A_157, %add3A_157 : vector<16xf32>
      %add3A_160 = arith.addf %add3A_148, %mul3A_159 : vector<16xf32>
      %get3A_161 = arith.index_cast %scan3A_86 : i32 to index
      %get3A_162 = arith.constant 96 : index
      %get3A_163 = tpu.vector_load %arg11[%get3A_161, %get3A_162] {strides = array<i32>} : memref<256x128xf32, #tpu.memory_space<vmem>>, vector<1x16xf32>,
      %get3A_164 = vector.shape_cast %get3A_163 : vector<1x16xf32> to vector<16xf32>
      %get3A_165 = arith.index_cast %scan3A_86 : i32 to index
      %get3A_166 = arith.constant 96 : index
      %get3A_167 = tpu.vector_load %arg12[%get3A_165, %get3A_166] {strides = array<i32>} : memref<256x128xf32, #tpu.memory_space<vmem>>, vector<1x16xf32>,
      %get3A_168 = vector.shape_cast %get3A_167 : vector<1x16xf32> to vector<16xf32>
      %add3A_169 = arith.addf %get3A_164, %get3A_168 : vector<16xf32>
      %add3A_170 = arith.addf %add3A_158, %add3A_169 : vector<16xf32>
      %mul3A_171 = arith.mulf %add3A_169, %add3A_169 : vector<16xf32>
      %add3A_172 = arith.addf %add3A_160, %mul3A_171 : vector<16xf32>
      %get3A_173 = arith.index_cast %scan3A_86 : i32 to index
      %get3A_174 = arith.constant 112 : index
      %get3A_175 = tpu.vector_load %arg11[%get3A_173, %get3A_174] {strides = array<i32>} : memref<256x128xf32, #tpu.memory_space<vmem>>, vector<1x16xf32>,
      %get3A_176 = vector.shape_cast %get3A_175 : vector<1x16xf32> to vector<16xf32>
      %get3A_177 = arith.index_cast %scan3A_86 : i32 to index
      %get3A_178 = arith.constant 112 : index
      %get3A_179 = tpu.vector_load %arg12[%get3A_177, %get3A_178] {strides = array<i32>} : memref<256x128xf32, #tpu.memory_space<vmem>>, vector<1x16xf32>,
      %get3A_180 = vector.shape_cast %get3A_179 : vector<1x16xf32> to vector<16xf32>
      %add3A_181 = arith.addf %get3A_176, %get3A_180 : vector<16xf32>
      %add3A_182 = arith.addf %add3A_170, %add3A_181 : vector<16xf32>
      %mul3A_183 = arith.mulf %add3A_181, %add3A_181 : vector<16xf32>
      %add3A_184 = arith.addf %add3A_172, %mul3A_183 : vector<16xf32>
      %iota3A = tpu.iota {dimensions = array<i32: 0>} : vector<16xi32>
      %xor3A = arith.constant 1 : i32
      %xor3A_185 = vector.broadcast %xor3A : i32 to vector<16xi32>
      %xor3A_186 = arith.xori %iota3A, %xor3A_185 : vector<16xi32>
      %broadcast_in_dim3A_187 = vector.shape_cast %xor3A_186 : vector<16xi32> to vector<16x1xi32>
      %gather3A = vector.shape_cast %broadcast_in_dim3A_187 : vector<16x1xi32> to vector<16xi32>
      %gather3A_188 = tpu.dynamic_gather %add3A_182[%gather3A] in [0] : vector<16xf32>, vector<16xi32> -> vector<16xf32>
      %add3A_189 = arith.addf %add3A_182, %gather3A_188 : vector<16xf32>
      %xor3A_190 = arith.constant 2 : i32
      %xor3A_191 = vector.broadcast %xor3A_190 : i32 to vector<16xi32>
      %xor3A_192 = arith.xori %iota3A, %xor3A_191 : vector<16xi32>
      %broadcast_in_dim3A_193 = vector.shape_cast %xor3A_192 : vector<16xi32> to vector<16x1xi32>
      %gather3A_194 = vector.shape_cast %broadcast_in_dim3A_193 : vector<16x1xi32> to vector<16xi32>
      %gather3A_195 = tpu.dynamic_gather %add3A_189[%gather3A_194] in [0] : vector<16xf32>, vector<16xi32> -> vector<16xf32>
      %add3A_196 = arith.addf %add3A_189, %gather3A_195 : vector<16xf32>
      %xor3A_197 = arith.constant 4 : i32
      %xor3A_198 = vector.broadcast %xor3A_197 : i32 to vector<16xi32>
      %xor3A_199 = arith.xori %iota3A, %xor3A_198 : vector<16xi32>
      %broadcast_in_dim3A_200 = vector.shape_cast %xor3A_199 : vector<16xi32> to vector<16x1xi32>
      %gather3A_201 = vector.shape_cast %broadcast_in_dim3A_200 : vector<16x1xi32> to vector<16xi32>
      %gather3A_202 = tpu.dynamic_gather %add3A_196[%gather3A_201] in [0] : vector<16xf32>, vector<16xi32> -> vector<16xf32>
      %add3A_203 = arith.addf %add3A_196, %gather3A_202 : vector<16xf32>
      %xor3A_204 = arith.constant 8 : i32
      %xor3A_205 = vector.broadcast %xor3A_204 : i32 to vector<16xi32>
      %xor3A_206 = arith.xori %iota3A, %xor3A_205 : vector<16xi32>
      %broadcast_in_dim3A_207 = vector.shape_cast %xor3A_206 : vector<16xi32> to vector<16x1xi32>
      %gather3A_208 = vector.shape_cast %broadcast_in_dim3A_207 : vector<16x1xi32> to vector<16xi32>
      %gather3A_209 = tpu.dynamic_gather %add3A_203[%gather3A_208] in [0] : vector<16xf32>, vector<16xi32> -> vector<16xf32>
      %add3A_210 = arith.addf %add3A_203, %gather3A_209 : vector<16xf32>
      %iota3A_211 = tpu.iota {dimensions = array<i32: 0>} : vector<16xi32>
      %xor3A_212 = arith.constant 1 : i32
      %xor3A_213 = vector.broadcast %xor3A_212 : i32 to vector<16xi32>
      %xor3A_214 = arith.xori %iota3A_211, %xor3A_213 : vector<16xi32>
      %broadcast_in_dim3A_215 = vector.shape_cast %xor3A_214 : vector<16xi32> to vector<16x1xi32>
      %gather3A_216 = vector.shape_cast %broadcast_in_dim3A_215 : vector<16x1xi32> to vector<16xi32>
      %gather3A_217 = tpu.dynamic_gather %add3A_184[%gather3A_216] in [0] : vector<16xf32>, vector<16xi32> -> vector<16xf32>
      %add3A_218 = arith.addf %add3A_184, %gather3A_217 : vector<16xf32>
      %xor3A_219 = arith.constant 2 : i32
      %xor3A_220 = vector.broadcast %xor3A_219 : i32 to vector<16xi32>
      %xor3A_221 = arith.xori %iota3A_211, %xor3A_220 : vector<16xi32>
      %broadcast_in_dim3A_222 = vector.shape_cast %xor3A_221 : vector<16xi32> to vector<16x1xi32>
      %gather3A_223 = vector.shape_cast %broadcast_in_dim3A_222 : vector<16x1xi32> to vector<16xi32>
      %gather3A_224 = tpu.dynamic_gather %add3A_218[%gather3A_223] in [0] : vector<16xf32>, vector<16xi32> -> vector<16xf32>
      %add3A_225 = arith.addf %add3A_218, %gather3A_224 : vector<16xf32>
      %xor3A_226 = arith.constant 4 : i32
      %xor3A_227 = vector.broadcast %xor3A_226 : i32 to vector<16xi32>
      %xor3A_228 = arith.xori %iota3A_211, %xor3A_227 : vector<16xi32>
      %broadcast_in_dim3A_229 = vector.shape_cast %xor3A_228 : vector<16xi32> to vector<16x1xi32>
      %gather3A_230 = vector.shape_cast %broadcast_in_dim3A_229 : vector<16x1xi32> to vector<16xi32>
      %gather3A_231 = tpu.dynamic_gather %add3A_225[%gather3A_230] in [0] : vector<16xf32>, vector<16xi32> -> vector<16xf32>
      %add3A_232 = arith.addf %add3A_225, %gather3A_231 : vector<16xf32>
      %xor3A_233 = arith.constant 8 : i32
      %xor3A_234 = vector.broadcast %xor3A_233 : i32 to vector<16xi32>
      %xor3A_235 = arith.xori %iota3A_211, %xor3A_234 : vector<16xi32>
      %broadcast_in_dim3A_236 = vector.shape_cast %xor3A_235 : vector<16xi32> to vector<16x1xi32>
      %gather3A_237 = vector.shape_cast %broadcast_in_dim3A_236 : vector<16x1xi32> to vector<16xi32>
      %gather3A_238 = tpu.dynamic_gather %add3A_232[%gather3A_237] in [0] : vector<16xf32>, vector<16xi32> -> vector<16xf32>
      %add3A_239 = arith.addf %add3A_232, %gather3A_238 : vector<16xf32>
      %mul3A_240 = arith.constant 7.812500e-03 : f32
      %mul3A_241 = vector.broadcast %mul3A_240 : f32 to vector<16xf32>
      %mul3A_242 = arith.mulf %add3A_210, %mul3A_241 : vector<16xf32>
      %mul3A_243 = arith.constant 7.812500e-03 : f32
      %mul3A_244 = vector.broadcast %mul3A_243 : f32 to vector<16xf32>
      %mul3A_245 = arith.mulf %add3A_239, %mul3A_244 : vector<16xf32>
      %mul3A_246 = arith.mulf %mul3A_242, %mul3A_242 : vector<16xf32>
      %sub3A = arith.subf %mul3A_245, %mul3A_246 : vector<16xf32>
      %max3A = arith.constant 0.000000e+00 : f32
      %max3A_247 = vector.broadcast %max3A : f32 to vector<16xf32>
      %max3A_248 = arith.maximumf %sub3A, %max3A_247 : vector<16xf32>
      %add3A_249 = arith.constant 9.99999996E-13 : f32
      %add3A_250 = vector.broadcast %add3A_249 : f32 to vector<16xf32>
      %add3A_251 = arith.addf %max3A_248, %add3A_250 : vector<16xf32>
      %bitcast_convert_type3A = tpu.bitcast %add3A_251 : vector<16xf32> -> vector<16xi32>
      %shift_right_logical3A = arith.constant 1 : i32
      %shift_right_logical3A_252 = vector.broadcast %shift_right_logical3A : i32 to vector<16xi32>
      %shift_right_logical3A_253 = arith.shrui %bitcast_convert_type3A, %shift_right_logical3A_252 : vector<16xi32>
      %sub3A_254 = arith.constant 1597463007 : i32
      %sub3A_255 = vector.broadcast %sub3A_254 : i32 to vector<16xi32>
      %sub3A_256 = arith.subi %sub3A_255, %shift_right_logical3A_253 : vector<16xi32>
      %bitcast_convert_type3A_257 = tpu.bitcast %sub3A_256 : vector<16xi32> -> vector<16xf32>
      %mul3A_258 = arith.constant 5.000000e-01 : f32
      %mul3A_259 = vector.broadcast %mul3A_258 : f32 to vector<16xf32>
      %mul3A_260 = arith.mulf %mul3A_259, %add3A_251 : vector<16xf32>
      %mul3A_261 = arith.mulf %mul3A_260, %bitcast_convert_type3A_257 : vector<16xf32>
      %mul3A_262 = arith.mulf %mul3A_261, %bitcast_convert_type3A_257 : vector<16xf32>
      %sub3A_263 = arith.constant 1.500000e+00 : f32
      %sub3A_264 = vector.broadcast %sub3A_263 : f32 to vector<16xf32>
      %sub3A_265 = arith.subf %sub3A_264, %mul3A_262 : vector<16xf32>
      %mul3A_266 = arith.mulf %bitcast_convert_type3A_257, %sub3A_265 : vector<16xf32>
      %mul3A_267 = arith.constant 5.000000e-01 : f32
      %mul3A_268 = vector.broadcast %mul3A_267 : f32 to vector<16xf32>
      %mul3A_269 = arith.mulf %mul3A_268, %add3A_251 : vector<16xf32>
      %mul3A_270 = arith.mulf %mul3A_269, %mul3A_266 : vector<16xf32>
      %mul3A_271 = arith.mulf %mul3A_270, %mul3A_266 : vector<16xf32>
      %sub3A_272 = arith.constant 1.500000e+00 : f32
      %sub3A_273 = vector.broadcast %sub3A_272 : f32 to vector<16xf32>
      %sub3A_274 = arith.subf %sub3A_273, %mul3A_271 : vector<16xf32>
      %mul3A_275 = arith.mulf %mul3A_266, %sub3A_274 : vector<16xf32>
      %mul3A_276 = arith.constant 5.000000e-01 : f32
      %mul3A_277 = vector.broadcast %mul3A_276 : f32 to vector<16xf32>
      %mul3A_278 = arith.mulf %mul3A_277, %add3A_251 : vector<16xf32>
      %mul3A_279 = arith.mulf %mul3A_278, %mul3A_275 : vector<16xf32>
      %mul3A_280 = arith.mulf %mul3A_279, %mul3A_275 : vector<16xf32>
      %sub3A_281 = arith.constant 1.500000e+00 : f32
      %sub3A_282 = vector.broadcast %sub3A_281 : f32 to vector<16xf32>
      %sub3A_283 = arith.subf %sub3A_282, %mul3A_280 : vector<16xf32>
      %mul3A_284 = arith.mulf %mul3A_275, %sub3A_283 : vector<16xf32>
      %sub3A_285 = arith.subf %add3A_97, %mul3A_242 : vector<16xf32>
      %mul3A_286 = arith.mulf %sub3A_285, %mul3A_284 : vector<16xf32>
      %get3A_287 = arith.constant 0 : index
      %get3A_288 = tpu.vector_load %arg14[%get3A_287] {strides = array<i32>} : memref<128xf32, #tpu.memory_space<vmem>>, vector<16xf32>,
      %get3A_289 = vector.shape_cast %get3A_288 : vector<16xf32> to vector<16xf32>
      %mul3A_290 = arith.mulf %mul3A_286, %get3A_289 : vector<16xf32>
      %get3A_291 = arith.constant 0 : index
      %get3A_292 = tpu.vector_load %arg15[%get3A_291] {strides = array<i32>} : memref<128xf32, #tpu.memory_space<vmem>>, vector<16xf32>,
      %get3A_293 = vector.shape_cast %get3A_292 : vector<16xf32> to vector<16xf32>
      %add3A_294 = arith.addf %mul3A_290, %get3A_293 : vector<16xf32>
      %swap3A = arith.index_cast %scan3A_86 : i32 to index
      %swap3A_295 = arith.constant 0 : index
      %swap3A_296 = tpu.vector_load %arg13[%swap3A, %swap3A_295] {strides = array<i32>} : memref<256x128xf32, #tpu.memory_space<vmem>>, vector<1x16xf32>,
      %swap3A_297 = vector.shape_cast %swap3A_296 : vector<1x16xf32> to vector<16xf32>
      %swap3A_298 = vector.shape_cast %add3A_294 : vector<16xf32> to vector<1x16xf32>
      tpu.vector_store %arg13[%swap3A, %swap3A_295], %swap3A_298 {strides = array<i32>} : memref<256x128xf32, #tpu.memory_space<vmem>>, vector<1x16xf32>,
      %sub3A_299 = arith.subf %add3A_109, %mul3A_242 : vector<16xf32>
      %mul3A_300 = arith.mulf %sub3A_299, %mul3A_284 : vector<16xf32>
      %get3A_301 = arith.constant 16 : index
      %get3A_302 = tpu.vector_load %arg14[%get3A_301] {strides = array<i32>} : memref<128xf32, #tpu.memory_space<vmem>>, vector<16xf32>,
      %get3A_303 = vector.shape_cast %get3A_302 : vector<16xf32> to vector<16xf32>
      %mul3A_304 = arith.mulf %mul3A_300, %get3A_303 : vector<16xf32>
      %get3A_305 = arith.constant 16 : index
      %get3A_306 = tpu.vector_load %arg15[%get3A_305] {strides = array<i32>} : memref<128xf32, #tpu.memory_space<vmem>>, vector<16xf32>,
      %get3A_307 = vector.shape_cast %get3A_306 : vector<16xf32> to vector<16xf32>
      %add3A_308 = arith.addf %mul3A_304, %get3A_307 : vector<16xf32>
      %swap3A_309 = arith.index_cast %scan3A_86 : i32 to index
      %swap3A_310 = arith.constant 16 : index
      %swap3A_311 = tpu.vector_load %arg13[%swap3A_309, %swap3A_310] {strides = array<i32>} : memref<256x128xf32, #tpu.memory_space<vmem>>, vector<1x16xf32>,
      %swap3A_312 = vector.shape_cast %swap3A_311 : vector<1x16xf32> to vector<16xf32>
      %swap3A_313 = vector.shape_cast %add3A_308 : vector<16xf32> to vector<1x16xf32>
      tpu.vector_store %arg13[%swap3A_309, %swap3A_310], %swap3A_313 {strides = array<i32>} : memref<256x128xf32, #tpu.memory_space<vmem>>, vector<1x16xf32>,
      %sub3A_314 = arith.subf %add3A_121, %mul3A_242 : vector<16xf32>
      %mul3A_315 = arith.mulf %sub3A_314, %mul3A_284 : vector<16xf32>
      %get3A_316 = arith.constant 32 : index
      %get3A_317 = tpu.vector_load %arg14[%get3A_316] {strides = array<i32>} : memref<128xf32, #tpu.memory_space<vmem>>, vector<16xf32>,
      %get3A_318 = vector.shape_cast %get3A_317 : vector<16xf32> to vector<16xf32>
      %mul3A_319 = arith.mulf %mul3A_315, %get3A_318 : vector<16xf32>
      %get3A_320 = arith.constant 32 : index
      %get3A_321 = tpu.vector_load %arg15[%get3A_320] {strides = array<i32>} : memref<128xf32, #tpu.memory_space<vmem>>, vector<16xf32>,
      %get3A_322 = vector.shape_cast %get3A_321 : vector<16xf32> to vector<16xf32>
      %add3A_323 = arith.addf %mul3A_319, %get3A_322 : vector<16xf32>
      %swap3A_324 = arith.index_cast %scan3A_86 : i32 to index
      %swap3A_325 = arith.constant 32 : index
      %swap3A_326 = tpu.vector_load %arg13[%swap3A_324, %swap3A_325] {strides = array<i32>} : memref<256x128xf32, #tpu.memory_space<vmem>>, vector<1x16xf32>,
      %swap3A_327 = vector.shape_cast %swap3A_326 : vector<1x16xf32> to vector<16xf32>
      %swap3A_328 = vector.shape_cast %add3A_323 : vector<16xf32> to vector<1x16xf32>
      tpu.vector_store %arg13[%swap3A_324, %swap3A_325], %swap3A_328 {strides = array<i32>} : memref<256x128xf32, #tpu.memory_space<vmem>>, vector<1x16xf32>,
      %sub3A_329 = arith.subf %add3A_133, %mul3A_242 : vector<16xf32>
      %mul3A_330 = arith.mulf %sub3A_329, %mul3A_284 : vector<16xf32>
      %get3A_331 = arith.constant 48 : index
      %get3A_332 = tpu.vector_load %arg14[%get3A_331] {strides = array<i32>} : memref<128xf32, #tpu.memory_space<vmem>>, vector<16xf32>,
      %get3A_333 = vector.shape_cast %get3A_332 : vector<16xf32> to vector<16xf32>
      %mul3A_334 = arith.mulf %mul3A_330, %get3A_333 : vector<16xf32>
      %get3A_335 = arith.constant 48 : index
      %get3A_336 = tpu.vector_load %arg15[%get3A_335] {strides = array<i32>} : memref<128xf32, #tpu.memory_space<vmem>>, vector<16xf32>,
      %get3A_337 = vector.shape_cast %get3A_336 : vector<16xf32> to vector<16xf32>
      %add3A_338 = arith.addf %mul3A_334, %get3A_337 : vector<16xf32>
      %swap3A_339 = arith.index_cast %scan3A_86 : i32 to index
      %swap3A_340 = arith.constant 48 : index
      %swap3A_341 = tpu.vector_load %arg13[%swap3A_339, %swap3A_340] {strides = array<i32>} : memref<256x128xf32, #tpu.memory_space<vmem>>, vector<1x16xf32>,
      %swap3A_342 = vector.shape_cast %swap3A_341 : vector<1x16xf32> to vector<16xf32>
      %swap3A_343 = vector.shape_cast %add3A_338 : vector<16xf32> to vector<1x16xf32>
      tpu.vector_store %arg13[%swap3A_339, %swap3A_340], %swap3A_343 {strides = array<i32>} : memref<256x128xf32, #tpu.memory_space<vmem>>, vector<1x16xf32>,
      %sub3A_344 = arith.subf %add3A_145, %mul3A_242 : vector<16xf32>
      %mul3A_345 = arith.mulf %sub3A_344, %mul3A_284 : vector<16xf32>
      %get3A_346 = arith.constant 64 : index
      %get3A_347 = tpu.vector_load %arg14[%get3A_346] {strides = array<i32>} : memref<128xf32, #tpu.memory_space<vmem>>, vector<16xf32>,
      %get3A_348 = vector.shape_cast %get3A_347 : vector<16xf32> to vector<16xf32>
      %mul3A_349 = arith.mulf %mul3A_345, %get3A_348 : vector<16xf32>
      %get3A_350 = arith.constant 64 : index
      %get3A_351 = tpu.vector_load %arg15[%get3A_350] {strides = array<i32>} : memref<128xf32, #tpu.memory_space<vmem>>, vector<16xf32>,
      %get3A_352 = vector.shape_cast %get3A_351 : vector<16xf32> to vector<16xf32>
      %add3A_353 = arith.addf %mul3A_349, %get3A_352 : vector<16xf32>
      %swap3A_354 = arith.index_cast %scan3A_86 : i32 to index
      %swap3A_355 = arith.constant 64 : index
      %swap3A_356 = tpu.vector_load %arg13[%swap3A_354, %swap3A_355] {strides = array<i32>} : memref<256x128xf32, #tpu.memory_space<vmem>>, vector<1x16xf32>,
      %swap3A_357 = vector.shape_cast %swap3A_356 : vector<1x16xf32> to vector<16xf32>
      %swap3A_358 = vector.shape_cast %add3A_353 : vector<16xf32> to vector<1x16xf32>
      tpu.vector_store %arg13[%swap3A_354, %swap3A_355], %swap3A_358 {strides = array<i32>} : memref<256x128xf32, #tpu.memory_space<vmem>>, vector<1x16xf32>,
      %sub3A_359 = arith.subf %add3A_157, %mul3A_242 : vector<16xf32>
      %mul3A_360 = arith.mulf %sub3A_359, %mul3A_284 : vector<16xf32>
      %get3A_361 = arith.constant 80 : index
      %get3A_362 = tpu.vector_load %arg14[%get3A_361] {strides = array<i32>} : memref<128xf32, #tpu.memory_space<vmem>>, vector<16xf32>,
      %get3A_363 = vector.shape_cast %get3A_362 : vector<16xf32> to vector<16xf32>
      %mul3A_364 = arith.mulf %mul3A_360, %get3A_363 : vector<16xf32>
      %get3A_365 = arith.constant 80 : index
      %get3A_366 = tpu.vector_load %arg15[%get3A_365] {strides = array<i32>} : memref<128xf32, #tpu.memory_space<vmem>>, vector<16xf32>,
      %get3A_367 = vector.shape_cast %get3A_366 : vector<16xf32> to vector<16xf32>
      %add3A_368 = arith.addf %mul3A_364, %get3A_367 : vector<16xf32>
      %swap3A_369 = arith.index_cast %scan3A_86 : i32 to index
      %swap3A_370 = arith.constant 80 : index
      %swap3A_371 = tpu.vector_load %arg13[%swap3A_369, %swap3A_370] {strides = array<i32>} : memref<256x128xf32, #tpu.memory_space<vmem>>, vector<1x16xf32>,
      %swap3A_372 = vector.shape_cast %swap3A_371 : vector<1x16xf32> to vector<16xf32>
      %swap3A_373 = vector.shape_cast %add3A_368 : vector<16xf32> to vector<1x16xf32>
      tpu.vector_store %arg13[%swap3A_369, %swap3A_370], %swap3A_373 {strides = array<i32>} : memref<256x128xf32, #tpu.memory_space<vmem>>, vector<1x16xf32>,
      %sub3A_374 = arith.subf %add3A_169, %mul3A_242 : vector<16xf32>
      %mul3A_375 = arith.mulf %sub3A_374, %mul3A_284 : vector<16xf32>
      %get3A_376 = arith.constant 96 : index
      %get3A_377 = tpu.vector_load %arg14[%get3A_376] {strides = array<i32>} : memref<128xf32, #tpu.memory_space<vmem>>, vector<16xf32>,
      %get3A_378 = vector.shape_cast %get3A_377 : vector<16xf32> to vector<16xf32>
      %mul3A_379 = arith.mulf %mul3A_375, %get3A_378 : vector<16xf32>
      %get3A_380 = arith.constant 96 : index
      %get3A_381 = tpu.vector_load %arg15[%get3A_380] {strides = array<i32>} : memref<128xf32, #tpu.memory_space<vmem>>, vector<16xf32>,
      %get3A_382 = vector.shape_cast %get3A_381 : vector<16xf32> to vector<16xf32>
      %add3A_383 = arith.addf %mul3A_379, %get3A_382 : vector<16xf32>
      %swap3A_384 = arith.index_cast %scan3A_86 : i32 to index
      %swap3A_385 = arith.constant 96 : index
      %swap3A_386 = tpu.vector_load %arg13[%swap3A_384, %swap3A_385] {strides = array<i32>} : memref<256x128xf32, #tpu.memory_space<vmem>>, vector<1x16xf32>,
      %swap3A_387 = vector.shape_cast %swap3A_386 : vector<1x16xf32> to vector<16xf32>
      %swap3A_388 = vector.shape_cast %add3A_383 : vector<16xf32> to vector<1x16xf32>
      tpu.vector_store %arg13[%swap3A_384, %swap3A_385], %swap3A_388 {strides = array<i32>} : memref<256x128xf32, #tpu.memory_space<vmem>>, vector<1x16xf32>,
      %sub3A_389 = arith.subf %add3A_181, %mul3A_242 : vector<16xf32>
      %mul3A_390 = arith.mulf %sub3A_389, %mul3A_284 : vector<16xf32>
      %get3A_391 = arith.constant 112 : index
      %get3A_392 = tpu.vector_load %arg14[%get3A_391] {strides = array<i32>} : memref<128xf32, #tpu.memory_space<vmem>>, vector<16xf32>,
      %get3A_393 = vector.shape_cast %get3A_392 : vector<16xf32> to vector<16xf32>
      %mul3A_394 = arith.mulf %mul3A_390, %get3A_393 : vector<16xf32>
      %get3A_395 = arith.constant 112 : index
      %get3A_396 = tpu.vector_load %arg15[%get3A_395] {strides = array<i32>} : memref<128xf32, #tpu.memory_space<vmem>>, vector<16xf32>,
      %get3A_397 = vector.shape_cast %get3A_396 : vector<16xf32> to vector<16xf32>
      %add3A_398 = arith.addf %mul3A_394, %get3A_397 : vector<16xf32>
      %swap3A_399 = arith.index_cast %scan3A_86 : i32 to index
      %swap3A_400 = arith.constant 112 : index
      %swap3A_401 = tpu.vector_load %arg13[%swap3A_399, %swap3A_400] {strides = array<i32>} : memref<256x128xf32, #tpu.memory_space<vmem>>, vector<1x16xf32>,
      %swap3A_402 = vector.shape_cast %swap3A_401 : vector<1x16xf32> to vector<16xf32>
      %swap3A_403 = vector.shape_cast %add3A_398 : vector<16xf32> to vector<1x16xf32>
      tpu.vector_store %arg13[%swap3A_399, %swap3A_400], %swap3A_403 {strides = array<i32>} : memref<256x128xf32, #tpu.memory_space<vmem>>, vector<1x16xf32>,
    }
    %scan3A_85 = arith.constant 256 : i32
    "tpu.region"() ({
      %run_scoped3A = tpu.sem_alloc : memref<!tpu.dma_semaphore, #tpu.memory_space<semaphore_mem>>
      %dma_start3A_86 = arith.constant 0 : i32
      %dma_start3A_87 = tpu.memref_slice %arg8[%mul3A_2, %dma_start3A_86] : memref<8192x128xf32, #tpu.memory_space<hbm>> -> memref<256x128xf32, #tpu.memory_space<hbm>>
      %dma_start3A_88 = arith.constant 0 : i32
      %dma_start3A_89 = tpu.memref_slice %arg8[%mul3A_2, %dma_start3A_88] : memref<8192x128xf32, #tpu.memory_space<hbm>> -> memref<256x128xf32, #tpu.memory_space<hbm>>
      tpu.enqueue_dma source(%arg13 : memref<256x128xf32, #tpu.memory_space<vmem>>) target(%dma_start3A_89 : memref<256x128xf32, #tpu.memory_space<hbm>>) target_semaphore(%run_scoped3A : memref<!tpu.dma_semaphore, #tpu.memory_space<semaphore_mem>>)
      %dma_wait3A_90 = arith.constant 0 : i32
      %dma_wait3A_91 = tpu.memref_slice %arg8[%mul3A_2, %dma_wait3A_90] : memref<8192x128xf32, #tpu.memory_space<hbm>> -> memref<256x128xf32, #tpu.memory_space<hbm>>
      %dma_wait3A_92 = arith.constant 0 : i32
      %dma_wait3A_93 = tpu.memref_slice %arg8[%mul3A_2, %dma_wait3A_92] : memref<8192x128xf32, #tpu.memory_space<hbm>> -> memref<256x128xf32, #tpu.memory_space<hbm>>
      tpu.wait_dma2 semaphore(%run_scoped3A : memref<!tpu.dma_semaphore, #tpu.memory_space<semaphore_mem>>) src(%arg13 : memref<256x128xf32, #tpu.memory_space<vmem>>) dst(%dma_wait3A_93 : memref<256x128xf32, #tpu.memory_space<hbm>>)
      tpu.yield
    }) : () -> ()
    return
  }
}

</mosaic_0001>

<sc_bundles>
// kernel: kernel.3.cloned.1.call-start
scs
__scs_entry_jumppad:
0x0: {  	(pc) =	sbr.rel $0x88, $3  }
0x1: {  	(tag) =	ssettag $0x0;
	lr =	simm.s32 $0x1  }
0x2: {  	[smem:$0x3F9B] =	sst lr;
	_ =	strace $0xD0000000  }
0x3: {  	_ = 	snop  }
0x4: {  	_ = 	snop  }
0x5: {  	_ = 	snop  }
0x6: {  	_ = 	snop  }
0x7: {  	_ = 	snop  }
__scs_overlays_trampoline_lowered:
0x8: {  	[smem:$0x3FAA] =	sst s0  }
0x9: {  	[smem:$0x3FAB] =	sst s1  }
0xa: {  	[smem:$0x3FAC] =	sst s2  }
0xb: {  	[smem:$0x3FAD] =	sst s3  }
0xc: {  	[smem:$0x3FAE] =	sst s4  }
0xd: {  	[smem:$0x3FAF] =	sst s5  }
0xe: {  	[smem:$0x3FB0] =	sst s6  }
0xf: {  	[smem:$0x3FB1] =	sst s7  }
0x10: {  	[smem:$0x3FB2] =	sst s8  }
0x11: {  	[smem:$0x3FB3] =	sst s9;
	s0 =	simm.s32 @!p0 $0x0  }
0x12: {  	s1 =	sld [smem:$0x3F99];
	s0 =	simm.s32 @p0 $0x1  }
0x13: {  	[smem:$0x3FB4] =	sst s0;
	s0 =	simm.s32 @!p1 $0x0  }
0x14: {  	s2 =	sld [smem:$0x3F98];
	s0 =	simm.s32 @p1 $0x1  }
0x15: {  	[smem:$0x3FB5] =	sst s0;
	s0 =	simm.s32 @!p2 $0x0  }
0x16: {  	s3 =	sld [smem:$0x3FDB];
	s0 =	simm.s32 @p2 $0x1  }
0x17: {  	s4 =	simm.s32 $0x1BF5;
	[smem:$0x3FB7] =	sst s0  }
0x18: {  	s0 =	sld [smem:$0x3F9A];
	_ =	swait.ge [sflag:s4], $0x0  }
0x19: {  	s7 =	sld [smem:$0x3F9B]  }
0x1a: {  	s8 =	sadd.s32 $0xFFFFE003, lr  }
0x1b: {  	s9 =	sadd.s32 $0xFFFFFEF7, lr;
	s5 =	simm.s32 $0xFFFFFFFF;
	p2 =	slt.u32 s8, $0xFFFFF086  }
0x1c: {  	p1 =	slt.u32 s9, $0xF7A;
	s5 =	simm.s32 @!p2 $0x0  }
0x1d: {  	s5 =	simm.s32 @p1 $0x1;
	p0 =	seq.s32 s7, s2  }
0x1e: {  	s7 =	smul.u32 @!p0 $0xF7A, s2;
	p2 =	seq.s32 @!p0 s5, $0x0  }
0x1f: {  	s9 =	smul.u32 $0xF7A, s1;
	s8 =	simm.s32 @!p0 $0x1BF5;
	p2 =	por !p2, p0  }
0x20: {  	[sflag:s8] =	ssyncset.s32 @!p0 $0xFFFFF086;
	s6 =	sadd.s32 @!p0 s3, s7;
	s7 =	simm.s32 @!p0 $0x108  }
0x21: {  	s3 =	sadd.s32 s3, s9;
	s6 =	sadd.s32 @!p0 $0x88, s6;
	s7 =	simm.s32 @p2 $0x1082  }
0x22: {  	[simem:s7], [sflag:s8] =	dma.local @!p0 [hbm:s6], $0xF7A  }
0x23: {  	s9 =	sor.u32 $0xD0000000, s2;
	s6 =	simm.s32 $0x108;
	_ =	swait.ge @!p0 [sflag:s8], $0x0  }
0x24: {  	s3 =	sadd.s32 $0x88, s3;
	s6 =	simm.s32 @!p1 $0x1082;
	[sflag:s4] =	ssyncset.s32 $0xFFFFF086  }
0x25: {  	[simem:s6], [sflag:s4] =	dma.local [hbm:s3], $0xF7A  }
0x26: {  	[smem:$0x3F9B] =	sst s1;
	(tag) =	ssettag s2;
	_ =	strace s9  }
0x27: {  	s1 =	sld [smem:$0x3FAB]  }
0x28: {  	s2 =	sld [smem:$0x3FAC]  }
0x29: {  	s4 =	sld [smem:$0x3FAE]  }
0x2a: {  	p0 =	seq.s32 s5, $0x0;
	s5 =	sld [smem:$0x3FAF]  }
0x2b: {  	s6 =	sld [smem:$0x3FB0]  }
0x2c: {  	s7 =	sld [smem:$0x3FB1]  }
0x2d: {  	s3 =	simm.s32 $0x108;
	s8 =	sld [smem:$0x3FB2]  }
0x2e: {  	s3 =	simm.s32 @!p0 $0x1082;
	s9 =	sld [smem:$0x3FB3]  }
0x2f: {  	lr =	sadd.s32 s0, s3;
	s0 =	sld [smem:$0x3FAA]  }
0x30: {  	s3 =	sld [smem:$0x3FAD]  }
0x31: {  	[smem:$0x3FB6] =	sst s10  }
0x32: {  	s10 =	sld [smem:$0x3FB4];
	_ =	sdelay $0x3  }
0x33: {  	p0 =	seq.s32 s10, $0x1;
	s10 =	sld [smem:$0x3FB6];
	_ =	sdelay $0x3  }
0x34: {  	[smem:$0x3FB6] =	sst s10  }
0x35: {  	s10 =	sld [smem:$0x3FB5];
	_ =	sdelay $0x3  }
0x36: {  	p1 =	seq.s32 s10, $0x1;
	s10 =	sld [smem:$0x3FB6];
	_ =	sdelay $0x3  }
0x37: {  	[smem:$0x3FB6] =	sst s10  }
0x38: {  	s10 =	sld [smem:$0x3FB7]  }
0x39: {  	_ = 	snop;
	(pc) =	sbr.ind lr, $3  }
0x3a: {  	_ = 	snop  }
0x3b: {  	_ = 	snop  }
0x3c: {  	p2 =	seq.s32 s10, $0x1;
	s10 =	sld [smem:$0x3FB6]  }
0x3d: {  	_ =	shalt  }
0x3e: {  	_ =	shalt  }
0x3f: {  	_ =	shalt  }
0x40: {  	_ =	shalt  }
0x41: {  	_ =	shalt  }
0x42: {  	_ =	shalt  }
0x43: {  	_ =	shalt  }
0x44: {  	_ =	shalt  }
0x45: {  	_ =	shalt  }
0x46: {  	_ =	shalt  }
0x47: {  	_ =	shalt  }
0x48: {  	_ =	shalt  }
0x49: {  	_ =	shalt  }
0x4a: {  	_ =	shalt  }
0x4b: {  	_ =	shalt  }
0x4c: {  	_ =	shalt  }
0x4d: {  	_ =	shalt  }
0x4e: {  	_ =	shalt  }
0x4f: {  	_ =	shalt  }
0x50: {  	_ =	shalt  }
0x51: {  	_ =	shalt  }
0x52: {  	_ =	shalt  }
0x53: {  	_ =	shalt  }
0x54: {  	_ =	shalt  }
0x55: {  	_ =	shalt  }
0x56: {  	_ =	shalt  }
0x57: {  	_ =	shalt  }
0x58: {  	_ =	shalt  }
0x59: {  	_ =	shalt  }
0x5a: {  	_ =	shalt  }
0x5b: {  	_ =	shalt  }
0x5c: {  	_ =	shalt  }
0x5d: {  	_ =	shalt  }
0x5e: {  	_ =	shalt  }
0x5f: {  	_ =	shalt  }
0x60: {  	_ =	shalt  }
0x61: {  	_ =	shalt  }
0x62: {  	_ =	shalt  }
0x63: {  	_ =	shalt  }
0x64: {  	_ =	shalt  }
0x65: {  	_ =	shalt  }
0x66: {  	_ =	shalt  }
0x67: {  	_ =	shalt  }
0x68: {  	_ =	shalt  }
0x69: {  	_ =	shalt  }
0x6a: {  	_ =	shalt  }
0x6b: {  	_ =	shalt  }
0x6c: {  	_ =	shalt  }
0x6d: {  	_ =	shalt  }
0x6e: {  	_ =	shalt  }
0x6f: {  	_ =	shalt  }
0x70: {  	_ =	shalt  }
0x71: {  	_ =	shalt  }
0x72: {  	_ =	shalt  }
0x73: {  	_ =	shalt  }
0x74: {  	_ =	shalt  }
0x75: {  	_ =	shalt  }
0x76: {  	_ =	shalt  }
0x77: {  	_ =	shalt  }
0x78: {  	_ =	shalt  }
0x79: {  	_ =	shalt  }
0x7a: {  	_ =	shalt  }
0x7b: {  	_ =	shalt  }
0x7c: {  	_ =	shalt  }
0x7d: {  	_ =	shalt  }
0x7e: {  	_ =	shalt  }
0x7f: {  	_ =	shalt  }
0x80: {  	_ =	shalt  }
0x81: {  	_ =	shalt  }
0x82: {  	_ =	shalt  }
0x83: {  	_ =	shalt  }
0x84: {  	_ =	shalt  }
0x85: {  	_ =	shalt  }
0x86: {  	_ =	shalt  }
0x87: {  	_ =	shalt  }
.Lfunc_end0:
.L_simem_size_0:
called_computation_lowered:
.L_overlay_start_0:
0x88: {  	s2 =	sld [smem:$0x3FD9]  }
0x89: {  	s3 =	sld [smem:$0x3FFE];
	_ =	sdelay $0x1  }
0x8a: {  	s1 =	srdreg.scid  }
0x8b: {  	s0 =	sand.u32 $0x1, s1  }
0x8c: {  	s17 =	sshll.u32 s0, $0xA;
	s2 =	sadd.s32 s3, s2  }
0x8d: {  	s2 =	sadd.s32 s2, s17  }
0x8e: {  	[smem:$0x3FC2] =	sst s2  }
0x8f: {  	_ = 	snop  }
0x90: {  	s2 =	sld [smem:$0x3FC7]  }
0x91: {  	s18 =	sld [smem:$0x3FC6]  }
0x92: {  	s4 =	sld [smem:$0x3FC5]  }
0x93: {  	s5 =	sld [smem:$0x3FC4]  }
0x94: {  	s6 =	sld [smem:$0x3FD0];
	(tm) =	ssettm $0x1  }
0x95: {  	s7 =	sld [smem:$0x3FFB];
	_ =	sdelay $0x3  }
0x96: {  	_ =	strace s7  }
0x97: {  	s7 =	sld [smem:$0x3FFC];
	_ =	sdelay $0x3  }
0x98: {  	_ =	strace s7  }
0x99: {  	s7 =	sld [smem:$0x3FFD];
	_ =	sdelay $0x3  }
0x9a: {  	_ =	strace s7  }
0x9b: {  	_ =	strace $0x8FFFFFFF  }
0x9c: {  	s19 =	sld [smem:$0x3FDB];
	_ =	sdelay $0x1  }
0x9d: {  	s8 =	simm.s32 $_scs_section_size  }
0x9e: {  	s9 =	simm.s32 $_size__tile_overlayer_lowered;
	s10 =	simm.s32 $_tile_overlayer_lowered  }
0x9f: {  	s22 =	simm.s32 $0x1BFF;
	s21 =	sshll.u32 s10, $0x1;
	s7 =	sadd.s32 s8, s19  }
0xa0: {  	s11 =	simm.s32 $0x0;
	s20 =	sshll.u32 s9, $0x1;
	s9 =	sadd.s32 s21, s7  }
0xa1: {  	[timem:s11], [sflag:s22] =	dma.local [hbm:s9], s20  }
0xa2: {  	_ =	swait.ge [sflag:s22], s20  }
0xa3: {  	s8 =	ssub.s32 $0x0, s20;
	[sflag:s22] =	ssyncset.done $0x0  }
0xa4: {  	[sflag:s22] =	ssyncadd.s32 s8;
	_ =	sdelay $0x1  }
0xa5: {  	s23 =	simm.s32 $0x1B8B  }
0xa6: {  	_ =	swait.ge [sflag:s23], $0x1  }
0xa7: {  	[sflag:s23] =	ssyncset.done $0x0  }
0xa8: {  	s25 =	simm.s32 $0x1B8E;
	s24 =	sld [smem:$0x3FFE];
	[sflag:s23] =	ssyncadd.s32 $0xFFFFFFFF  }
0xa9: {  	s26 =	simm.s32 $execute0_lowered;
	[smem:$0x3FD2] =	sst s25  }
0xaa: {  	s9 =	sshll.u32 s26, $0x1;
	_ =	strace $0x80000046;
	[dreg:$0x1] =	wrdreg $0xFFFFFFFF  }
0xab: {  	s28 =	simm.s32 $_size_execute0_lowered;
	s7 =	sadd.s32 s7, s9;
	[dreg:$0x0] =	wrdreg $0x0  }
0xac: {  	s9 =	sshll.u32 s28, $0x1;
	[dreg:$0x2] =	wrdreg s7  }
0xad: {  	[dreg:$0x3] =	wrdreg s9  }
0xae: {  	[dreg:$0x4] =	wrdreg $0xC0  }
0xaf: {  	_ =	task [dreg:s11], $0x5FFFF  }
0xb0: {  	[dreg:$0x1] =	wrdreg $0xFFFFFFFF  }
0xb1: {  	[dreg:$0x0] =	wrdreg $0x60  }
0xb2: {  	[dreg:$0x2] =	wrdreg s24  }
0xb3: {  	[dreg:$0x3] =	wrdreg s2  }
0xb4: {  	[dreg:$0x4] =	wrdreg s18  }
0xb5: {  	[dreg:$0x5] =	wrdreg s4  }
0xb6: {  	[dreg:$0x6] =	wrdreg s5  }
0xb7: {  	[dreg:$0x7] =	wrdreg s6  }
0xb8: {  	[dreg:$0x8] =	wrdreg $0x9  }
0xb9: {  	_ =	task.clear_ibuf [dreg:s11], $0x9FFFF;
	_ =	strace $0x90000046  }
0xba: {  	s29 =	simm.s32 $0x9;
	_ =	strace $0x80000048  }
0xbb: {  	_ =	swait.ge [sflag:s29], $0x1  }
0xbc: {  	[sflag:s29] =	ssyncadd.s32 $0xFFFFFFFF  }
0xbd: {  	_ =	strace $0x90000048  }
0xbe: {  	_ =	sfence  }
0xbf: {  	s30 =	sld [smem:$0x0];
	_ =	sdelay $0x2  }
0xc0: {  	s31 =	sshll.u32 s1, $0xD;
	s1 =	sshrl.u32 s1, $0x2  }
0xc1: {  	s3 =	sand.u32 $0x4000, s31;
	s1 =	sadd.s32 s1, s30  }
0xc2: {  	s0 =	sor.u32 s3, s0;
	s1 =	sshll.u32 s1, $0x11  }
0xc3: {  	s0 =	sor.u32 s1, s0  }
0xc4: {  	s0 =	sadd.s32 $0x8F2B, s0  }
0xc5: {  	[sflag:s0] =	ssyncadd.remote.s32 $0x1  }
0xc6: {  	_ =	sfence.sel $0xFFFF  }
0xc7: {  	[dreg:$0x0] =	wrdreg $0xFFFFFFFF;
	(pc) =	sbr.abs _section_cstart, $3  }
0xc8: {  	[dreg:$0x1] =	wrdreg $0xFFFFFFFF  }
0xc9: {  	_ =	task.clear_ibuf [dreg:s11], $0x2FFFF;
	_ =	strace $0x9FFFFFFF  }
0xca: {  	(tm) =	ssettm $0x7FFFFFFF  }
0xcb: {  	_ =	shalt  }
tec
execute0_lowered:
.L_overlay_start_1:
0x0: {  	(tag) =	ssettag $0x1  }
0x1: {  	s7 =	rddreg [dreg:$0x0]  }
0x2: {  	s0 =	rddreg [dreg:$0x1]  }
0x3: {  	s1 =	rddreg [dreg:$0x2]  }
0x4: {  	s2 =	rddreg [dreg:$0x3]  }
0x5: {  	v0 =	vimm.s32 $0xEFCDAB89;
	s3 =	rddreg [dreg:$0x4];
	s5 =	srdreg.scid;
	v1 =	vimm.s32 $0x67452301  }
0x6: {  	v2 =	vimm.s32 $0xDCFE98BA;
	s9 =	rddreg [dreg:$0x5];
	s4 =	stileid.u32;
	s6 =	simm.s32 $0x0;
	v3 =	vimm.s32 $0x54761032;
	v4 =	vimm.s32 $0xBA98FEDC  }
0x7: {  	v5 =	vimm.s32 $0x32107654;
	v6 =	vimm.s32 $0xFEDCBA98;
	s13 =	simm.s32 $0x18200;
	s14 =	simm.s32 $0x18280;
	s15 =	simm.s32 $0x80  }
0x8: {  	v7 =	vimm.s32 $0x76543210;
	s16 =	simm.s32 $0x200;
	s17 =	simm.s32 $0x8200;
	s18 =	simm.s32 $0x4200;
	v0 =	vunpack.c.l.s4.s8 v0;
	v1 =	vunpack.c.l.s4.s8 v1  }
0x9: {  	s19 =	simm.s32 $0x180;
	s20 =	simm.s32 $0xC200;
	s21 =	simm.s32 $0x1;
	v2 =	vunpack.c.l.s4.s8 v2;
	v3 =	vunpack.c.l.s4.s8 v3;
	v4 =	vunpack.c.l.s4.s8 v4  }
0xa: {  	s22 =	simm.s32 $0x10200;
	s23 =	simm.s32 $0x0;
	s8 =	sand.u32 $0x1, s5;
	v5 =	vunpack.c.l.s4.s8 v5;
	v6 =	vunpack.c.l.s4.s8 v6;
	v7 =	vunpack.c.l.s4.s8 v7  }
0xb: {  	s5 =	rddreg [dreg:$0x6];
	s10 =	sshll.u32 s4, $0x9;
	s11 =	sshll.u32 s8, $0x8;
	v0 =	vunpack.c.0.s8.s32 v0;
	v1 =	vunpack.c.0.s8.s32 v1;
	v2 =	vunpack.c.0.s8.s32 v2  }
0xc: {  	[smem:$0x7FF] =	sst s6;
	s8 =	ssub.s32 $0x2, s8;
	s10 =	sor.u32 s11, s10;
	v3 =	vunpack.c.0.s8.s32 v3;
	v4 =	vunpack.c.0.s8.s32 v4;
	v5 =	vunpack.c.0.s8.s32 v5  }
0xd: {  	_ =	strace $0x80000047;
	s12 =	sshrl.u32 s8, $0x1;
	s11 =	sshrl.u32 s10, $0x3;
	v0 =	vcombine.low v1, v0;
	v1 =	vunpack.c.0.s8.s32 v6  }
0xe: {  	s12 =	ssub.s32 s8, s12;
	s10 =	sshll.u32 s10, $0x4;
	s11 =	sadd.s32 s11, s7;
	v2 =	vcombine.low v3, v2;
	v3 =	vcombine.low v5, v4;
	v4 =	vunpack.c.0.s8.s32 v7  }
0xf: {  	s9 =	sadd.s32 s9, s10;
	s10 =	smax.u32 s12, $0x1;
	s12 =	simm.s32 $0x100;
	v0 =	vand.u32 $0xF, v0;
	v5 =	vand.u32 $0xF, v1  }
0x10: {  	s7 =	sadd.s32 $0x400, s11;
	s8 =	sadd.s32 $0x800, s11;
	s11 =	simm.s32 $0x2;
	v1 =	vand.u32 $0xF, v2;
	v2 =	vand.u32 $0xF, v3;
	v3 =	vcombine.low v5, v4  }
.LBB2_1:
0x11: {  	[tilespmem:s6], [sflag:$0x2] =	stream.linear.gather [hbm4b:s7+s6], $0x100, $0x38;
	[tilespmem:$0x18300] =	vst v63  }
0x12: {  	_ =	swait.ge [sflag:s11], $0x100  }
0x13: {  	[sflag:s11] =	ssyncset.done $0x0  }
0x14: {  	[sflag:s11] =	ssyncadd.s32 $0xFFFFFF00  }
0x15: {  	[tilespmem:s12], [sflag:$0x2] =	stream.linear.gather [hbm4b:s8+s6], $0x100, $0x38;
	[tilespmem:$0x18300] =	vst v63  }
0x16: {  	_ =	swait.ge [sflag:s11], $0x100  }
0x17: {  	[sflag:s11] =	ssyncset.done $0x0  }
0x18: {  	[sflag:s11] =	ssyncadd.s32 $0xFFFFFF00  }
0x19: {  	[tilespmem:s13], [sflag:$0x2] =	stream.linear.gather [hbm4b:s2+s6], $0x80, $0x38;
	[tilespmem:$0x18300] =	vst v63  }
0x1a: {  	_ =	swait.ge [sflag:s11], $0x80  }
0x1b: {  	[sflag:s11] =	ssyncset.done $0x0  }
0x1c: {  	[sflag:s11] =	ssyncadd.s32 $0xFFFFFF80  }
0x1d: {  	[tilespmem:s14], [sflag:$0x2] =	stream.linear.gather [hbm4b:s3+s6], $0x80, $0x38;
	[tilespmem:$0x18300] =	vst v63  }
0x1e: {  	_ =	swait.ge [sflag:s11], $0x80  }
0x1f: {  	[sflag:s11] =	ssyncset.done $0x0  }
0x20: {  	[sflag:s11] =	ssyncadd.s32 $0xFFFFFF80  }
0x21: {  	[tilespmem:s16], [sflag:$0x1] =	stream.indirect.gather [hbm4b:s0+s15], $0x80, s6, s15, $0xb8;
	[tilespmem:$0x18300] =	vst v63  }
0x22: {  	_ = 	snop  }
0x23: {  	[tilespmem:s17], [sflag:$0x1] =	stream.indirect.gather [hbm4b:s1+s15], $0x80, s12, s15, $0xb8;
	[tilespmem:$0x18300] =	vst v63  }
0x24: {  	_ = 	snop  }
0x25: {  	[tilespmem:s18], [sflag:$0x1] =	stream.indirect.gather [hbm4b:s0+s15], $0x80, s15, s15, $0xb8;
	[tilespmem:$0x18300] =	vst v63  }
0x26: {  	_ = 	snop  }
0x27: {  	[tilespmem:s20], [sflag:$0x1] =	stream.indirect.gather [hbm4b:s1+s15], $0x80, s19, s15, $0xb8;
	[tilespmem:$0x18300] =	vst v63  }
0x28: {  	_ =	swait.ge [sflag:s21], $0x4000  }
0x29: {  	[sflag:s21] =	ssyncset.done $0x0  }
0x2a: {  	[sflag:s21] =	ssyncadd.s32 $0xFFFFC000  }
0x2b: {  	_ =	swait.ge [sflag:s21], $0x4000  }
0x2c: {  	[sflag:s21] =	ssyncset.done $0x0  }
0x2d: {  	[sflag:s21] =	ssyncadd.s32 $0xFFFFC000  }
0x2e: {  	_ =	swait.ge [sflag:s21], $0x4000  }
0x2f: {  	[sflag:s21] =	ssyncset.done $0x0  }
0x30: {  	[sflag:s21] =	ssyncadd.s32 $0xFFFFC000  }
0x31: {  	_ =	swait.ge [sflag:s21], $0x4000  }
0x32: {  	[sflag:s21] =	ssyncset.done $0x0  }
0x33: {  	s24 =	simm.s32 $0x0;
	[sflag:s21] =	ssyncadd.s32 $0xFFFFC000  }
0x34: {  	v4 =	vld [tilespmem:s24+$0x220]  }
0x35: {  	v5 =	vld [tilespmem:s24+$0x200]  }
0x36: {  	v6 =	vld [tilespmem:s24+$0x8200]  }
0x37: {  	v7 =	vld [tilespmem:s24+$0x210]  }
0x38: {  	v8 =	vld [tilespmem:s24+$0x8210]  }
0x39: {  	v9 =	vld [tilespmem:s24+$0x8220]  }
0x3a: {  	v10 =	vld [tilespmem:s24+$0x230]  }
0x3b: {  	v13 =	vadd.f32 v6, v5;
	v5 =	vld [tilespmem:s24+$0x8230]  }
0x3c: {  	v6 =	vld [tilespmem:s24+$0x240]  }
0x3d: {  	v12 =	vadd.f32 v8, v7;
	v7 =	vld [tilespmem:s24+$0x8240];
	v14 =	vadd.f32 $0.0e+00, v13  }
0x3e: {  	v16 =	vld [tilespmem:s24+$0x8250];
	v11 =	vadd.f32 v9, v4  }
0x3f: {  	v4 =	vld [tilespmem:s24+$0x250];
	v8 =	vmul.f32 v13, v13;
	v15 =	vmul.f32 v12, v12;
	v14 =	vadd.f32 v12, v14  }
0x40: {  	v17 =	vld [tilespmem:s24+$0x260];
	v9 =	vadd.f32 v5, v10  }
0x41: {  	v5 =	vld [tilespmem:s24+$0x8260];
	v10 =	vadd.f32 v15, v8;
	v15 =	vmul.f32 v11, v11;
	v14 =	vadd.f32 v11, v14  }
0x42: {  	v18 =	vld [tilespmem:s24+$0x270];
	v8 =	vadd.f32 v7, v6  }
0x43: {  	v7 =	vld [tilespmem:s24+$0x8270];
	v10 =	vadd.f32 v15, v10;
	v15 =	vmul.f32 v9, v9;
	v14 =	vadd.f32 v9, v14  }
0x44: {  	v6 =	vadd.f32 v16, v4  }
0x45: {  	v4 =	vadd.f32 v15, v10;
	v10 =	vadd.f32 v8, v14;
	v14 =	vmul.f32 v8, v8  }
0x46: {  	v5 =	vadd.f32 v5, v17  }
0x47: {  	v15 =	vmul.f32 v6, v6;
	v14 =	vadd.f32 v14, v4;
	v10 =	vadd.f32 v6, v10  }
0x48: {  	v4 =	vadd.f32 v7, v18  }
0x49: {  	v7 =	vadd.f32 v15, v14;
	v10 =	vadd.f32 v5, v10;
	v14 =	vmul.f32 v5, v5;
	_ =	sdelay $0x1  }
0x4a: {  	v7 =	vadd.f32 v14, v7;
	v10 =	vadd.f32 v4, v10;
	v14 =	vmul.f32 v4, v4;
	_ =	sdelay $0x1  }
0x4b: {  	v7 =	vadd.f32 v14, v7;
	v14 =	vperm.xlane v10, v0;
	_ =	sdelay $0x1  }
0x4c: {  	v10 =	vadd.f32 v10, v14;
	v14 =	vperm.xlane v7, v0;
	_ =	sdelay $0x1  }
0x4d: {  	v15 =	vperm.xlane v10, v1;
	v7 =	vadd.f32 v14, v7;
	_ =	sdelay $0x1  }
0x4e: {  	v10 =	vadd.f32 v10, v15;
	v14 =	vperm.xlane v7, v1;
	_ =	sdelay $0x1  }
0x4f: {  	v15 =	vperm.xlane v10, v2;
	v7 =	vadd.f32 v14, v7;
	_ =	sdelay $0x1  }
0x50: {  	v10 =	vadd.f32 v10, v15;
	v14 =	vperm.xlane v7, v2;
	_ =	sdelay $0x1  }
0x51: {  	v15 =	vperm.xlane v10, v3;
	v7 =	vadd.f32 v14, v7;
	_ =	sdelay $0x1  }
0x52: {  	v10 =	vadd.f32 v10, v15;
	v14 =	vperm.xlane v7, v3;
	_ =	sdelay $0x1  }
0x53: {  	v14 =	vadd.f32 v14, v7;
	v7 =	vmul.f32 $7.812500000e-03, v10;
	_ =	sdelay $0x1  }
0x54: {  	v10 =	vmul.f32 $7.812500000e-03, v14;
	v14 =	vmul.f32 v7, v7;
	_ =	sdelay $0x1  }
0x55: {  	v10 =	vsub.f32 v10, v14;
	_ =	sdelay $0x1  }
0x56: {  	v10 =	vmax.f32 v10, $0.0e+00  }
0x57: {  	v10 =	vadd.f32 $9.999999960e-13, v10;
	_ =	sdelay $0x1  }
0x58: {  	v14 =	vshrl.u32 v10, $0x1;
	v10 =	vmul.f32 $5.000000000e-01, v10  }
0x59: {  	v14 =	vsub.s32 $0x5F3759DF, v14  }
0x5a: {  	v15 =	vmul.f32 v14, v10;
	_ =	sdelay $0x1  }
0x5b: {  	v15 =	vmul.f32 v14, v15;
	_ =	sdelay $0x1  }
0x5c: {  	v15 =	vsub.f32 $1.500000000e+00, v15;
	_ =	sdelay $0x1  }
0x5d: {  	v14 =	vmul.f32 v14, v15;
	_ =	sdelay $0x1  }
0x5e: {  	v15 =	vmul.f32 v14, v10;
	_ =	sdelay $0x1  }
0x5f: {  	v15 =	vmul.f32 v15, v14;
	_ =	sdelay $0x1  }
0x60: {  	v15 =	vsub.f32 $1.500000000e+00, v15;
	_ =	sdelay $0x1  }
0x61: {  	v14 =	vmul.f32 v15, v14;
	_ =	sdelay $0x1  }
0x62: {  	v10 =	vmul.f32 v14, v10;
	_ =	sdelay $0x1  }
0x63: {  	v10 =	vmul.f32 v10, v14;
	_ =	sdelay $0x1  }
0x64: {  	v10 =	vsub.f32 $1.500000000e+00, v10  }
0x65: {  	v17 =	vld [tilespmem:$0x18200]  }
0x66: {  	v13 =	vsub.f32 v13, v7;
	v10 =	vmul.f32 v10, v14  }
0x67: {  	s25 =	simm.s32 $0x80;
	v19 =	vld [tilespmem:$0x18280]  }
0x68: {  	v16 =	vld [tilespmem:s25+$0x220];
	v13 =	vmul.f32 v10, v13  }
0x69: {  	v18 =	vld [tilespmem:s25+$0x210]  }
0x6a: {  	v15 =	vld [tilespmem:s25+$0x260];
	v13 =	vmul.f32 v13, v17  }
0x6b: {  	v14 =	vld [tilespmem:s25+$0x270]  }
0x6c: {  	v17 =	vld [tilespmem:s25+$0x8220];
	v19 =	vadd.f32 v13, v19  }
0x6d: {  	s26 =	simm.s32 $0x400;
	v13 =	vld [tilespmem:s25+$0x200]  }
.LBB2_2:
0x6e: {  	p0 =	sne.s32 s26, $0x1FE00;
	v20 =	vld [tilespmem:s25+$0x8200];
	[tilespmem:s24+$0x10200] =	vst v19  }
0x6f: {  	v19 =	vld [tilespmem:$0x18210]  }
0x70: {  	v12 =	vsub.f32 v12, v7;
	v21 =	vld [tilespmem:s25+$0x8210]  }
0x71: {  	v22 =	vld [tilespmem:$0x18290]  }
0x72: {  	v12 =	vmul.f32 v10, v12;
	v23 =	vld [tilespmem:s25+$0x230]  }
0x73: {  	v13 =	vadd.f32 v20, v13;
	v20 =	vld [tilespmem:s25+$0x8230]  }
0x74: {  	v24 =	vld [tilespmem:s25+$0x240];
	v19 =	vmul.f32 v12, v19  }
0x75: {  	v25 =	vadd.f32 $0.0e+00, v13;
	v12 =	vadd.f32 v21, v18;
	v18 =	vld [tilespmem:s25+$0x8240]  }
0x76: {  	v16 =	vadd.f32 v17, v16;
	v17 =	vld [tilespmem:s25+$0x250];
	v19 =	vadd.f32 v19, v22  }
0x77: {  	v21 =	vmul.f32 v13, v13;
	v22 =	vadd.f32 v12, v25;
	v25 =	vmul.f32 v12, v12;
	v26 =	vld [tilespmem:s25+$0x8250]  }
0x78: {  	v20 =	vadd.f32 v20, v23;
	v23 =	vld [tilespmem:s25+$0x8260];
	[tilespmem:s24+$0x10210] =	vst v19  }
0x79: {  	v19 =	vadd.f32 v25, v21;
	v21 =	vadd.f32 v16, v22;
	v22 =	vmul.f32 v16, v16;
	v25 =	vld [tilespmem:$0x18220]  }
0x7a: {  	v27 =	vsub.f32 v11, v7;
	v11 =	vmov v16;
	v18 =	vadd.f32 v18, v24;
	v24 =	vld [tilespmem:s25+$0x8270]  }
0x7b: {  	v16 =	vadd.f32 v22, v19;
	v19 =	vadd.f32 v20, v21;
	v21 =	vmul.f32 v20, v20;
	v22 =	vld [tilespmem:$0x182A0]  }
0x7c: {  	v17 =	vadd.f32 v26, v17;
	v26 =	vmul.f32 v10, v27  }
0x7d: {  	v16 =	vadd.f32 v21, v16;
	v19 =	vadd.f32 v18, v19;
	v21 =	vmul.f32 v18, v18  }
0x7e: {  	v15 =	vadd.f32 v23, v15;
	v23 =	vmul.f32 v26, v25  }
0x7f: {  	v16 =	vadd.f32 v21, v16;
	v19 =	vadd.f32 v17, v19;
	v21 =	vmul.f32 v17, v17  }
0x80: {  	v14 =	vadd.f32 v24, v14;
	v22 =	vadd.f32 v23, v22  }
0x81: {  	v16 =	vadd.f32 v21, v16;
	v19 =	vadd.f32 v15, v19;
	v21 =	vmul.f32 v15, v15  }
0x82: {  	[tilespmem:s24+$0x10220] =	vst v22  }
0x83: {  	v16 =	vadd.f32 v21, v16;
	v19 =	vadd.f32 v14, v19;
	v21 =	vmul.f32 v14, v14;
	v22 =	vld [tilespmem:$0x18230]  }
0x84: {  	v23 =	vsub.f32 v9, v7;
	v9 =	vmov v20  }
0x85: {  	v16 =	vadd.f32 v21, v16;
	v20 =	vperm.xlane v19, v0;
	v21 =	vld [tilespmem:$0x182B0]  }
0x86: {  	v23 =	vmul.f32 v10, v23  }
0x87: {  	v19 =	vadd.f32 v19, v20;
	v20 =	vperm.xlane v16, v0  }
0x88: {  	v22 =	vmul.f32 v23, v22  }
0x89: {  	v23 =	vperm.xlane v19, v1;
	v16 =	vadd.f32 v20, v16  }
0x8a: {  	v20 =	vadd.f32 v22, v21  }
0x8b: {  	v19 =	vadd.f32 v19, v23;
	v21 =	vperm.xlane v16, v1  }
0x8c: {  	[tilespmem:s24+$0x10230] =	vst v20  }
0x8d: {  	v20 =	vperm.xlane v19, v2;
	v16 =	vadd.f32 v21, v16;
	v21 =	vld [tilespmem:$0x18240]  }
0x8e: {  	v22 =	vsub.f32 v8, v7;
	v8 =	vmov v18  }
0x8f: {  	v18 =	vadd.f32 v19, v20;
	v19 =	vperm.xlane v16, v2;
	v20 =	vld [tilespmem:$0x182C0]  }
0x90: {  	v22 =	vmul.f32 v10, v22  }
0x91: {  	v23 =	vperm.xlane v18, v3;
	v16 =	vadd.f32 v19, v16  }
0x92: {  	v19 =	vmul.f32 v22, v21  }
0x93: {  	v18 =	vadd.f32 v18, v23;
	v21 =	vperm.xlane v16, v3  }
0x94: {  	v19 =	vadd.f32 v19, v20  }
0x95: {  	v16 =	vadd.f32 v21, v16;
	v18 =	vmul.f32 $7.812500000e-03, v18  }
0x96: {  	[tilespmem:s24+$0x10240] =	vst v19  }
0x97: {  	v16 =	vmul.f32 $7.812500000e-03, v16;
	v19 =	vmul.f32 v18, v18;
	v20 =	vld [tilespmem:$0x18250]  }
0x98: {  	v21 =	vsub.f32 v6, v7;
	v6 =	vmov v17  }
0x99: {  	v16 =	vsub.f32 v16, v19;
	v17 =	vld [tilespmem:$0x182D0]  }
0x9a: {  	v19 =	vmul.f32 v10, v21  }
0x9b: {  	v16 =	vmax.f32 v16, $0.0e+00  }
0x9c: {  	v16 =	vadd.f32 $9.999999960e-13, v16;
	v19 =	vmul.f32 v19, v20;
	_ =	sdelay $0x1  }
0x9d: {  	v20 =	vshrl.u32 v16, $0x1;
	v16 =	vmul.f32 $5.000000000e-01, v16;
	v17 =	vadd.f32 v19, v17  }
0x9e: {  	v19 =	vsub.s32 $0x5F3759DF, v20  }
0x9f: {  	v20 =	vmul.f32 v19, v16;
	[tilespmem:s24+$0x10250] =	vst v17  }
0xa0: {  	v17 =	vld [tilespmem:$0x18260]  }
0xa1: {  	v21 =	vsub.f32 v5, v7;
	v5 =	vmov v15;
	v20 =	vmul.f32 v19, v20;
	v22 =	vld [tilespmem:$0x182E0];
	_ =	sdelay $0x1  }
0xa2: {  	v15 =	vsub.f32 $1.500000000e+00, v20;
	v20 =	vmul.f32 v10, v21;
	_ =	sdelay $0x1  }
0xa3: {  	v15 =	vmul.f32 v19, v15;
	v17 =	vmul.f32 v20, v17;
	_ =	sdelay $0x1  }
0xa4: {  	v19 =	vmul.f32 v15, v16;
	v17 =	vadd.f32 v17, v22;
	_ =	sdelay $0x1  }
0xa5: {  	v19 =	vmul.f32 v19, v15;
	[tilespmem:s24+$0x10260] =	vst v17  }
0xa6: {  	v17 =	vld [tilespmem:$0x18270]  }
0xa7: {  	v20 =	vsub.f32 v4, v7;
	v4 =	vmovc v14;
	v7 =	vmov v18;
	v19 =	vsub.f32 $1.500000000e+00, v19;
	v21 =	vld [tilespmem:$0x182F0];
	_ =	sdelay $0x1  }
0xa8: {  	v10 =	vmul.f32 v10, v20;
	v14 =	vmul.f32 v19, v15;
	_ =	sdelay $0x1  }
0xa9: {  	v15 =	vmul.f32 v14, v16;
	v10 =	vmul.f32 v17, v10;
	_ =	sdelay $0x1  }
0xaa: {  	v15 =	vmul.f32 v15, v14;
	v10 =	vadd.f32 v21, v10;
	_ =	sdelay $0x1  }
0xab: {  	v15 =	vsub.f32 $1.500000000e+00, v15;
	[tilespmem:s24+$0x10270] =	vst v10;
	s24 =	smov.u32 s25  }
0xac: {  	v17 =	vld [tilespmem:$0x18200]  }
0xad: {  	v13 =	vsub.f32 v13, v7;
	v10 =	vmul.f32 v15, v14;
	v19 =	vld [tilespmem:$0x18280]  }
0xae: {  	s25 =	sshra.s32 s26, $0x2  }
0xaf: {  	v14 =	vld [tilespmem:s25+$0x270];
	v13 =	vmul.f32 v10, v13  }
.Ltmp0:
0xb0: {  	v15 =	vld [tilespmem:s25+$0x260];
	(pc) =	sbr.rel @p0 .LBB2_2-.Ltmp0, $4  }
0xb1: {  	v16 =	vld [tilespmem:s25+$0x220];
	v13 =	vmul.f32 v13, v17  }
0xb2: {  	v17 =	vld [tilespmem:s25+$0x8220]  }
0xb3: {  	v18 =	vld [tilespmem:s25+$0x210];
	v19 =	vadd.f32 v13, v19  }
0xb4: {  	s26 =	sadd.s32 $0x200, s26;
	v13 =	vld [tilespmem:s25+$0x200]  }
0xb5: {  	v20 =	vld [tilespmem:s25+$0x8200];
	[tilespmem:s24+$0x10200] =	vst v19  }
0xb6: {  	v19 =	vld [tilespmem:$0x18210]  }
0xb7: {  	v12 =	vsub.f32 v12, v7;
	v21 =	vld [tilespmem:s25+$0x8210]  }
0xb8: {  	v22 =	vld [tilespmem:$0x18290]  }
0xb9: {  	v23 =	vld [tilespmem:s25+$0x230];
	v12 =	vmul.f32 v10, v12  }
0xba: {  	v24 =	vld [tilespmem:s25+$0x8230];
	v13 =	vadd.f32 v20, v13  }
0xbb: {  	v46 =	vld [tilespmem:s25+$0x240];
	v12 =	vmul.f32 v12, v19  }
0xbc: {  	v47 =	vld [tilespmem:s25+$0x8240];
	v18 =	vadd.f32 v21, v18;
	v25 =	vadd.f32 $0.0e+00, v13  }
0xbd: {  	v48 =	vld [tilespmem:s25+$0x250];
	v16 =	vadd.f32 v17, v16;
	v12 =	vadd.f32 v12, v22  }
0xbe: {  	v49 =	vld [tilespmem:s25+$0x8250];
	v50 =	vmul.f32 v13, v13;
	v26 =	vmul.f32 v18, v18;
	v25 =	vadd.f32 v18, v25  }
0xbf: {  	v27 =	vld [tilespmem:s25+$0x8260];
	v23 =	vadd.f32 v24, v23;
	[tilespmem:s24+$0x10210] =	vst v12  }
0xc0: {  	v53 =	vmul.f32 v16, v16;
	v51 =	vadd.f32 v26, v50;
	v52 =	vadd.f32 v16, v25;
	v54 =	vld [tilespmem:$0x18220]  }
0xc1: {  	v11 =	vsub.f32 v11, v7;
	v19 =	vadd.f32 v47, v46;
	v55 =	vld [tilespmem:s25+$0x8270]  }
0xc2: {  	v56 =	vmul.f32 v23, v23;
	v57 =	vld [tilespmem:$0x182A0];
	v12 =	vadd.f32 v53, v51;
	v22 =	vadd.f32 v23, v52  }
0xc3: {  	v11 =	vmul.f32 v10, v11;
	v17 =	vadd.f32 v49, v48  }
0xc4: {  	v59 =	vmul.f32 v19, v19;
	v58 =	vadd.f32 v56, v12;
	v22 =	vadd.f32 v19, v22  }
0xc5: {  	v12 =	vadd.f32 v27, v15;
	v60 =	vmul.f32 v11, v54  }
0xc6: {  	v61 =	vmul.f32 v17, v17;
	v21 =	vadd.f32 v59, v58;
	v22 =	vadd.f32 v17, v22  }
0xc7: {  	v11 =	vadd.f32 v55, v14;
	v62 =	vadd.f32 v60, v57  }
0xc8: {  	v25 =	vmul.f32 v12, v12;
	v63 =	vadd.f32 v61, v21;
	v24 =	vadd.f32 v12, v22  }
0xc9: {  	[tilespmem:s24+$0x10220] =	vst v62  }
0xca: {  	v28 =	vmul.f32 v11, v11;
	v26 =	vadd.f32 v25, v63;
	v27 =	vadd.f32 v11, v24;
	v29 =	vld [tilespmem:$0x18230]  }
0xcb: {  	v9 =	vsub.f32 v9, v7  }
0xcc: {  	v31 =	vld [tilespmem:$0x182B0];
	v14 =	vadd.f32 v28, v26;
	v30 =	vperm.xlane v27, v0  }
0xcd: {  	v9 =	vmul.f32 v10, v9  }
0xce: {  	v32 =	vperm.xlane v14, v0;
	v15 =	vadd.f32 v27, v30  }
0xcf: {  	v9 =	vmul.f32 v9, v29  }
0xd0: {  	v14 =	vadd.f32 v32, v14;
	v33 =	vperm.xlane v15, v1  }
0xd1: {  	v9 =	vadd.f32 v9, v31  }
0xd2: {  	v20 =	vperm.xlane v14, v1;
	v15 =	vadd.f32 v15, v33  }
0xd3: {  	[tilespmem:s24+$0x10230] =	vst v9  }
0xd4: {  	v14 =	vadd.f32 v20, v14;
	v34 =	vperm.xlane v15, v2;
	v35 =	vld [tilespmem:$0x18240]  }
0xd5: {  	v8 =	vsub.f32 v8, v7  }
0xd6: {  	v37 =	vld [tilespmem:$0x182C0];
	v36 =	vperm.xlane v14, v2;
	v9 =	vadd.f32 v15, v34  }
0xd7: {  	v8 =	vmul.f32 v10, v8  }
0xd8: {  	v14 =	vadd.f32 v36, v14;
	v38 =	vperm.xlane v9, v3  }
0xd9: {  	v8 =	vmul.f32 v8, v35  }
0xda: {  	v15 =	vperm.xlane v14, v3;
	v9 =	vadd.f32 v9, v38  }
0xdb: {  	v8 =	vadd.f32 v8, v37  }
0xdc: {  	v14 =	vadd.f32 v15, v14;
	v9 =	vmul.f32 $7.812500000e-03, v9  }
0xdd: {  	[tilespmem:s24+$0x10240] =	vst v8  }
0xde: {  	v39 =	vmul.f32 $7.812500000e-03, v14;
	v40 =	vmul.f32 v9, v9;
	v41 =	vld [tilespmem:$0x18250]  }
0xdf: {  	v6 =	vsub.f32 v6, v7  }
0xe0: {  	v42 =	vld [tilespmem:$0x182D0];
	v8 =	vsub.f32 v39, v40  }
0xe1: {  	v6 =	vmul.f32 v10, v6  }
0xe2: {  	v8 =	vmax.f32 v8, $0.0e+00  }
0xe3: {  	v8 =	vadd.f32 $9.999999960e-13, v8;
	v6 =	vmul.f32 v6, v41;
	_ =	sdelay $0x1  }
0xe4: {  	v43 =	vshrl.u32 v8, $0x1;
	v8 =	vmul.f32 $5.000000000e-01, v8;
	v6 =	vadd.f32 v6, v42  }
0xe5: {  	v44 =	vsub.s32 $0x5F3759DF, v43  }
0xe6: {  	v15 =	vmul.f32 v44, v8;
	[tilespmem:s24+$0x10250] =	vst v6  }
0xe7: {  	v6 =	vld [tilespmem:$0x18260]  }
0xe8: {  	v5 =	vsub.f32 v5, v7;
	v15 =	vmul.f32 v44, v15  }
0xe9: {  	v45 =	vld [tilespmem:$0x182E0]  }
0xea: {  	v5 =	vmul.f32 v10, v5;
	v15 =	vsub.f32 $1.500000000e+00, v15;
	_ =	sdelay $0x1  }
0xeb: {  	v14 =	vmul.f32 v44, v15;
	v5 =	vmul.f32 v5, v6;
	_ =	sdelay $0x1  }
0xec: {  	v46 =	vmul.f32 v14, v8;
	v5 =	vadd.f32 v5, v45;
	_ =	sdelay $0x1  }
0xed: {  	v6 =	vmul.f32 v46, v14;
	[tilespmem:s24+$0x10260] =	vst v5  }
0xee: {  	v5 =	vld [tilespmem:$0x18270]  }
0xef: {  	v4 =	vsub.f32 v4, v7;
	v6 =	vsub.f32 $1.500000000e+00, v6  }
0xf0: {  	v47 =	vld [tilespmem:$0x182F0]  }
0xf1: {  	v4 =	vmul.f32 v10, v4;
	v6 =	vmul.f32 v6, v14;
	_ =	sdelay $0x1  }
0xf2: {  	v8 =	vmul.f32 v6, v8;
	v4 =	vmul.f32 v5, v4;
	_ =	sdelay $0x1  }
0xf3: {  	v5 =	vmul.f32 v8, v6;
	v4 =	vadd.f32 v47, v4;
	_ =	sdelay $0x1  }
0xf4: {  	v5 =	vsub.f32 $1.500000000e+00, v5;
	[tilespmem:s24+$0x10270] =	vst v4  }
0xf5: {  	v4 =	vld [tilespmem:$0x18200]  }
0xf6: {  	v48 =	vsub.f32 v13, v9;
	v5 =	vmul.f32 v5, v6  }
0xf7: {  	v49 =	vld [tilespmem:$0x18280]  }
0xf8: {  	v6 =	vmul.f32 v5, v48;
	_ =	sdelay $0x1  }
0xf9: {  	v4 =	vmul.f32 v6, v4;
	_ =	sdelay $0x1  }
0xfa: {  	v4 =	vadd.f32 v4, v49;
	_ =	sdelay $0x1  }
0xfb: {  	[tilespmem:s25+$0x10200] =	vst v4  }
0xfc: {  	v4 =	vld [tilespmem:$0x18210]  }
0xfd: {  	v50 =	vsub.f32 v18, v9  }
0xfe: {  	v51 =	vld [tilespmem:$0x18290]  }
0xff: {  	v6 =	vmul.f32 v5, v50;
	_ =	sdelay $0x1  }
0x100: {  	v4 =	vmul.f32 v6, v4;
	_ =	sdelay $0x1  }
0x101: {  	v4 =	vadd.f32 v4, v51;
	_ =	sdelay $0x1  }
0x102: {  	[tilespmem:s25+$0x10210] =	vst v4  }
0x103: {  	v4 =	vld [tilespmem:$0x18220]  }
0x104: {  	v52 =	vsub.f32 v16, v9  }
0x105: {  	v53 =	vld [tilespmem:$0x182A0]  }
0x106: {  	v6 =	vmul.f32 v5, v52;
	_ =	sdelay $0x1  }
0x107: {  	v4 =	vmul.f32 v6, v4;
	_ =	sdelay $0x1  }
0x108: {  	v4 =	vadd.f32 v4, v53;
	_ =	sdelay $0x1  }
0x109: {  	[tilespmem:s25+$0x10220] =	vst v4  }
0x10a: {  	v4 =	vld [tilespmem:$0x18230]  }
0x10b: {  	v54 =	vsub.f32 v23, v9  }
0x10c: {  	v55 =	vld [tilespmem:$0x182B0]  }
0x10d: {  	v6 =	vmul.f32 v5, v54;
	_ =	sdelay $0x1  }
0x10e: {  	v4 =	vmul.f32 v6, v4;
	_ =	sdelay $0x1  }
0x10f: {  	v4 =	vadd.f32 v4, v55;
	_ =	sdelay $0x1  }
0x110: {  	[tilespmem:s25+$0x10230] =	vst v4  }
0x111: {  	v4 =	vld [tilespmem:$0x18240]  }
0x112: {  	v56 =	vsub.f32 v19, v9  }
0x113: {  	v57 =	vld [tilespmem:$0x182C0]  }
0x114: {  	v6 =	vmul.f32 v5, v56;
	_ =	sdelay $0x1  }
0x115: {  	v4 =	vmul.f32 v6, v4;
	_ =	sdelay $0x1  }
0x116: {  	v4 =	vadd.f32 v4, v57;
	_ =	sdelay $0x1  }
0x117: {  	[tilespmem:s25+$0x10240] =	vst v4  }
0x118: {  	v4 =	vld [tilespmem:$0x18250]  }
0x119: {  	v58 =	vsub.f32 v17, v9  }
0x11a: {  	v59 =	vld [tilespmem:$0x182D0]  }
0x11b: {  	v6 =	vmul.f32 v5, v58;
	_ =	sdelay $0x1  }
0x11c: {  	v4 =	vmul.f32 v6, v4;
	_ =	sdelay $0x1  }
0x11d: {  	v4 =	vadd.f32 v4, v59;
	_ =	sdelay $0x1  }
0x11e: {  	[tilespmem:s25+$0x10250] =	vst v4  }
0x11f: {  	v4 =	vld [tilespmem:$0x18260]  }
0x120: {  	v60 =	vsub.f32 v12, v9  }
0x121: {  	v61 =	vld [tilespmem:$0x182E0]  }
0x122: {  	v6 =	vmul.f32 v5, v60;
	_ =	sdelay $0x1  }
0x123: {  	v4 =	vmul.f32 v6, v4;
	_ =	sdelay $0x1  }
0x124: {  	v4 =	vadd.f32 v4, v61;
	_ =	sdelay $0x1  }
0x125: {  	[tilespmem:s25+$0x10260] =	vst v4  }
0x126: {  	v4 =	vld [tilespmem:$0x18270]  }
0x127: {  	v62 =	vsub.f32 v11, v9  }
0x128: {  	v63 =	vld [tilespmem:$0x182F0]  }
0x129: {  	v5 =	vmul.f32 v5, v62;
	_ =	sdelay $0x1  }
0x12a: {  	v4 =	vmul.f32 v4, v5;
	_ =	sdelay $0x1  }
0x12b: {  	s23 =	sadd.s32 $0x1, s23;
	v4 =	vadd.f32 v63, v4  }
0x12c: {  	p0 =	sne.s32 s23, s10  }
.Ltmp1:
0x12d: {  	[tilespmem:s25+$0x10270] =	vst v4;
	(pc) =	sbr.rel @p0 .LBB2_1-.Ltmp1, $4  }
0x12e: {  	[hbm4b:s9+s6] =	stream.linear.scatter [tilespmem:s22], [sflag:$0x2], $0x8000, $0x38;
	[tilespmem:$0x18300] =	vst v63  }
0x12f: {  	_ =	swait.ge [sflag:s11], $0x8000  }
0x130: {  	[sflag:s11] =	ssyncset.done $0x0  }
0x131: {  	[sflag:s11] =	ssyncadd.s32 $0xFFFF8000  }
0x132: {  	_ =	sfence.sel $0x180000  }
0x133: {  	[bflag:$0x0] =	sbarrier.arrive $0xFFFF  }
0x134: {  	p0 =	sne.s32 s4, $0x0;
	_ =	strace $0x90000047  }
0x135: {  	s0 =	sadd.s32 @!p0 $0x100000, s5;
	[bflag:$0x2] =	sbarrier.arrive $0xFFFF  }
0x136: {  	[sflag:s0] =	ssyncadd.tile.s32 @!p0 $0x1;
	_ =	shalt  }
.Lfunc_end2:
_tile_overlayer_lowered:
.L_overlay_start_2:
0x137: {  	(tag) =	ssettag $0x2  }
0x138: {  	s0 =	rddreg [dreg:$0x0];
	s2 =	stileid.u32  }
0x139: {  	s1 =	rddreg [dreg:$0x1];
	p0 =	sne.s32 s2, $0x0  }
0x13a: {  	s3 =	rddreg [dreg:$0x2];
	[bflag:$0x3] =	sbarrier.arrive $0xFFFF;
	s2 =	simm.s32 @!p0 $0x1C02  }
0x13b: {  	[timem:s3], [sflag:s2] =	dma.local @!p0 [hbm:s0], s1  }
0x13c: {  	s0 =	simm.s32 @!p0 $0x2  }
0x13d: {  	_ =	swait.ge @!p0 [sflag:s0], s1  }
0x13e: {  	s1 =	ssub.s32 @!p0 $0x0, s1;
	[sflag:s0] =	ssyncset.done @!p0 $0x0  }
0x13f: {  	[sflag:s0] =	ssyncadd.s32 @!p0 s1  }
0x140: {  	[bflag:$0x3] =	sbarrier.arrive $0xFFFF  }
0x141: {  	_ =	shalt  }

</sc_bundles>
